<compile_context>
chip_gen: v7x
topology: tpu7x:2x2x1
jax: 0.10.2.dev20260603
libtpu: 0.0.44.dev20260713+nightly
codegen_flags: <defaults>
</compile_context>

<pallas_src>
import functools

import jax
import jax.numpy as jnp
from jax import lax
from jax.experimental import pallas as pl
from jax.experimental.pallas import tpu as pltpu
from jax.experimental.pallas import tpu_sc as plsc

N = 10000
E = 320000
D_IN = 128
D_HID = 128
D_OUT = 40

NC = 2
NS = 16
CHUNK = 80
NPAD = 10240
ROWS_PER_TILE = NPAD // NS

_MESH = plsc.VectorSubcoreMesh(core_axis_name="c", subcore_axis_name="s")


def _make_hist():
    ept = E // (NC * NS)
    nsteps = ept // CHUNK
    rpt = NPAD // NS

    @functools.partial(
        pl.kernel,
        mesh=_MESH,
        out_type=jax.ShapeDtypeStruct((NC * 2 * NPAD,), jnp.float32),
        scratch_types=[
            pltpu.VMEM((ept,), jnp.int32),
            pltpu.VMEM((ept,), jnp.int32),
            pltpu.VMEM((NPAD,), jnp.float32),
            pltpu.VMEM((NPAD,), jnp.float32),
            pltpu.VMEM((rpt,), jnp.float32),
            pltpu.VMEM((rpt,), jnp.float32),
            pltpu.VMEM_SHARED((NS * 2 * NPAD,), jnp.float32),
        ],
        compiler_params=pltpu.CompilerParams(needs_layout_passes=False),
    )
    def hist(src_hbm, dst_hbm, out_hbm, si_v, di_v, hs_v, hd_v, buf_v, acc_v, hsh):
        c = lax.axis_index("c")
        s = lax.axis_index("s")
        wid = c * NS + s
        z16 = jnp.zeros((16,), jnp.float32)
        one16 = jnp.ones((16,), jnp.float32)
        pltpu.sync_copy(src_hbm.at[pl.ds(wid * ept, ept)], si_v)
        pltpu.sync_copy(dst_hbm.at[pl.ds(wid * ept, ept)], di_v)

        def zbody(i, carry):
            hs_v[pl.ds(i * 16, 16)] = z16
            hd_v[pl.ds(i * 16, 16)] = z16
            return carry

        lax.fori_loop(0, NPAD // 16, zbody, 0)

        lanes = lax.iota(jnp.int32, 16)

        def ebody(i, carry):
            pos = i * 16 + lanes
            plsc.addupdate_scatter(hs_v, [plsc.load_gather(si_v, [pos])], one16)
            plsc.addupdate_scatter(hd_v, [plsc.load_gather(di_v, [pos])], one16)
            return carry

        lax.fori_loop(0, ept // 16, ebody, 0)
        pltpu.sync_copy(hs_v, hsh.at[pl.ds((2 * s) * NPAD, NPAD)])
        pltpu.sync_copy(hd_v, hsh.at[pl.ds((2 * s + 1) * NPAD, NPAD)])
        plsc.subcore_barrier()

        for t in range(2):
            def rz(i, carry):
                acc_v[pl.ds(i * 16, 16)] = z16
                return carry

            lax.fori_loop(0, rpt // 16, rz, 0)

            def rbody(k, carry):
                pltpu.sync_copy(
                    hsh.at[pl.ds((2 * k + t) * NPAD + s * rpt, rpt)], buf_v)

                def abody(i, carry2):
                    acc_v[pl.ds(i * 16, 16)] = (
                        acc_v[pl.ds(i * 16, 16)] + buf_v[pl.ds(i * 16, 16)])
                    return carry2

                lax.fori_loop(0, rpt // 16, abody, 0)
                return carry

            lax.fori_loop(0, NS, rbody, 0)
            pltpu.sync_copy(
                acc_v,
                out_hbm.at[pl.ds(c * 2 * NPAD + t * NPAD + s * rpt, rpt)])

    return hist


def _make_agg(d):
    ept = E // (NC * NS)
    nsteps = ept // CHUNK

    @functools.partial(
        pl.kernel,
        mesh=_MESH,
        out_type=jax.ShapeDtypeStruct((NC, NPAD, d), jnp.float32),
        scratch_types=[
            pltpu.VMEM((ept,), jnp.int32),
            pltpu.VMEM((nsteps, CHUNK), jnp.int32),
            pltpu.VMEM((2, CHUNK, d), jnp.float32),
            pltpu.VMEM_SHARED((NPAD, d), jnp.float32),
            pltpu.SemaphoreType.DMA,
            pltpu.SemaphoreType.DMA,
        ],
    )
    def agg(t_hbm, src_hbm, dst_hbm, zeros_hbm, out_hbm,
            src_v, dst_v, rows_v, acc_sh, sem_g, sem_s):
        c = lax.axis_index("c")
        s = lax.axis_index("s")
        wid = c * NS + s
        pltpu.async_copy(src_hbm.at[pl.ds(wid * ept, ept)], src_v, sem_g)
        pltpu.async_copy(dst_hbm.at[wid], dst_v, sem_g)
        pltpu.async_copy(
            zeros_hbm.at[pl.ds(s * ROWS_PER_TILE, ROWS_PER_TILE)],
            acc_sh.at[pl.ds(s * ROWS_PER_TILE, ROWS_PER_TILE)], sem_s)
        pltpu.make_async_copy(src_hbm.at[pl.ds(wid * ept, ept)], src_v,
                              sem_g).wait()
        pltpu.make_async_copy(dst_hbm.at[wid], dst_v, sem_g).wait()
        pltpu.make_async_copy(
            zeros_hbm.at[pl.ds(s * ROWS_PER_TILE, ROWS_PER_TILE)],
            acc_sh.at[pl.ds(s * ROWS_PER_TILE, ROWS_PER_TILE)], sem_s).wait()
        plsc.subcore_barrier()

        def gather(i, b):
            pltpu.async_copy(t_hbm.at[src_v.at[pl.ds(i * CHUNK, CHUNK)]],
                             rows_v.at[b], sem_g)

        def scatter(i, b):
            pltpu.async_copy(rows_v.at[b], acc_sh.at[dst_v.at[i]],
                             sem_s, add=True)

        def g_wait(b):
            pltpu.make_async_copy(t_hbm.at[src_v.at[pl.ds(0, CHUNK)]],
                                  rows_v.at[b], sem_g).wait()

        def s_wait(b):
            pltpu.make_async_copy(rows_v.at[b], acc_sh.at[dst_v.at[0]],
                                  sem_s).wait()

        gather(0, 0)
        g_wait(0)
        scatter(0, 0)
        gather(1, 1)

        def body(i, carry):
            b = lax.rem(i, 2)
            g_wait(b)
            scatter(i, b)
            s_wait(1 - b)
            gather(i + 1, 1 - b)
            return carry

        lax.fori_loop(1, nsteps - 1, body, 0)
        bl = (nsteps - 1) % 2
        g_wait(bl)
        scatter(nsteps - 1, bl)
        s_wait(0)
        s_wait(1)
        plsc.subcore_barrier()
        pltpu.sync_copy(
            acc_sh.at[pl.ds(s * ROWS_PER_TILE, ROWS_PER_TILE)],
            out_hbm.at[c, pl.ds(s * ROWS_PER_TILE, ROWS_PER_TILE)],
        )

    return agg


_hist = _make_hist()
_agg128 = _make_agg(D_HID)


def _b0_body(feat_ref, deg_ref, hs_ref, ns_ref, nd_ref):
    degs = deg_ref[0, 0, :N] + deg_ref[1, 0, :N]
    degd = deg_ref[0, 1, :N] + deg_ref[1, 1, :N]
    ns = jnp.where(degs > 0, lax.rsqrt(degs), 0.0)
    nd = jnp.where(degd > 0, lax.rsqrt(degd), 0.0)
    ns_ref[...] = ns
    nd_ref[...] = nd
    hs_ref[...] = feat_ref[...] * ns


def _bmid_body(parts_ref, nd_ref, w_ref, b_ref, ns_ref, hs_ref):
    agg = (parts_ref[0, :N] + parts_ref[1, :N]) * nd_ref[...]
    h = jnp.dot(agg, w_ref[...], preferred_element_type=jnp.float32)
    h = jnp.maximum(h + b_ref[...], 0.0)
    mu = jnp.mean(h)
    var = jnp.mean((h - mu) * (h - mu))
    h = (h - mu) * lax.rsqrt(var + 1e-5)
    hs_ref[...] = h * ns_ref[...]


def _b3_body(parts_ref, nd_ref, w_ref, b_ref, o_ref):
    agg = (parts_ref[0, :N] + parts_ref[1, :N]) * nd_ref[...]
    o_ref[...] = jnp.dot(agg, w_ref[...],
                         preferred_element_type=jnp.float32) + b_ref[...]


def kernel(features, edge_index, num_bits, num_grad_bits, W0, b0, W1, b1, W2, b2):
    ei = edge_index.astype(jnp.int32)
    src = ei[0]
    dst = ei[1]
    zeros128 = jnp.zeros((NPAD, D_HID), jnp.float32)
    nsteps = E // (NC * NS) // CHUNK
    dst3 = dst.reshape(NC * NS, nsteps, CHUNK)

    deg = _hist(src, dst).reshape(NC, 2, NPAD, 1)

    hs0, ns, nd = pl.pallas_call(
        _b0_body,
        out_shape=[
            jax.ShapeDtypeStruct((N, D_IN), jnp.float32),
            jax.ShapeDtypeStruct((N, 1), jnp.float32),
            jax.ShapeDtypeStruct((N, 1), jnp.float32),
        ],
    )(features, deg)

    parts0 = _agg128(hs0, src, dst3, zeros128)

    hs1 = pl.pallas_call(
        _bmid_body,
        out_shape=jax.ShapeDtypeStruct((N, D_HID), jnp.float32),
    )(parts0, nd, W0, b0.reshape(1, D_HID), ns)

    parts1 = _agg128(hs1, src, dst3, zeros128)

    hs2 = pl.pallas_call(
        _bmid_body,
        out_shape=jax.ShapeDtypeStruct((N, D_HID), jnp.float32),
    )(parts1, nd, W1, b1.reshape(1, D_HID), ns)

    parts2 = _agg128(hs2, src, dst3, zeros128)

    out = pl.pallas_call(
        _b3_body,
        out_shape=jax.ShapeDtypeStruct((N, D_OUT), jnp.float32),
    )(parts2, nd, W2, b2.reshape(1, D_OUT))
    return out

# --- scband reference (transcript-rebuilt; emitter-appended) ---
"""Pipeline reference for scband-qgcn-30391188586775 (READ-ONLY COPY).

The authoritative reference and input builder live on the scoring server;
editing this copy changes nothing except your own understanding.
"""

import jax, jax.numpy as jnp
import numpy as np

N = 10000
E = 320000
D_IN = 128
D_HID = 128
D_OUT = 40


def _degree_norm(idx, n):
    deg = jax.ops.segment_sum(jnp.ones((idx.shape[0],), dtype=jnp.float32), idx, num_segments=n)
    return jnp.where(deg > 0, deg ** -0.5, 0.0)


def _gcn_layer(h, src, dst, norm_src, norm_dst, W, b, act):
    # DGL GraphConv with norm='both': scale by out-deg^-1/2 at src, aggregate, scale by in-deg^-1/2 at dst
    h = h * norm_src[:, None]
    m = h[src]
    agg = jax.ops.segment_sum(m, dst, num_segments=N)
    agg = agg * norm_dst[:, None]
    out = agg @ W + b
    if act:
        out = jax.nn.relu(out)
    return out


def _full_layernorm(h, eps=1e-5):
    # F.layer_norm(h, h.shape): normalize over the entire tensor, no affine
    mu = jnp.mean(h)
    var = jnp.var(h)
    return (h - mu) / jnp.sqrt(var + eps)


def setup_inputs(seed: int = 0):
    key = jax.random.key(seed)
    k1, k2, k3, k4, k5, k6, k7, k8 = jax.random.split(key, 8)
    features = jax.random.normal(k1, (N, D_IN), dtype=jnp.float32)
    edge_index = jax.random.randint(k2, (2, E), 0, N, dtype=jnp.int64)
    W0 = jax.random.normal(k3, (D_IN, D_HID), dtype=jnp.float32) * (1.0 / np.sqrt(D_IN))
    b0 = jnp.zeros((D_HID,), dtype=jnp.float32)
    W1 = jax.random.normal(k4, (D_HID, D_HID), dtype=jnp.float32) * (1.0 / np.sqrt(D_HID))
    b1 = jnp.zeros((D_HID,), dtype=jnp.float32)
    W2 = jax.random.normal(k5, (D_HID, D_OUT), dtype=jnp.float32) * (1.0 / np.sqrt(D_HID))
    b2 = jnp.zeros((D_OUT,), dtype=jnp.float32)
    return {"features": features, "edge_index": edge_index, "num_bits": 8, "num_grad_bits": 8,
            "W0": W0, "b0": b0, "W1": W1, "b1": b1, "W2": W2, "b2": b2}


def reference(features, edge_index, num_bits, num_grad_bits, W0, b0, W1, b1, W2, b2):
    # quant_norm=False, quant_agg=False -> num_bits/num_grad_bits are no-ops (fp32 path)
    src = edge_index[0]
    dst = edge_index[1]
    norm_src = _degree_norm(src, N)
    norm_dst = _degree_norm(dst, N)
    # dropout p=0.0 -> identity
    h = _gcn_layer(features, src, dst, norm_src, norm_dst, W0, b0, act=True)
    h = _full_layernorm(h)
    h = _gcn_layer(h, src, dst, norm_src, norm_dst, W1, b1, act=True)
    h = _full_layernorm(h)
    h = _gcn_layer(h, src, dst, norm_src, norm_dst, W2, b2, act=False)
    return h

if __name__ == "__main__":
    import jax
    _d = setup_inputs()
    print(jax.jit(kernel)(*tuple(_d.values())))

</pallas_src>

<mosaic_0001>
#map = affine_map<(d0, d1) -> (0, 0)>
#map1 = affine_map<(d0, d1) -> (0)>
#map2 = affine_map<(d0, d1) -> (0, 0, 0)>
module attributes {stable_mosaic.version = 14 : i64} {
  func.func @agg(%arg0: i32, %arg1: i32, %arg2: memref<10000x128xf32, #tpu.memory_space<hbm>>, %arg3: memref<320000xi32, #tpu.memory_space<hbm>>, %arg4: memref<32x125x80xi32, #tpu.memory_space<hbm>>, %arg5: memref<10240x128xf32, #tpu.memory_space<hbm>>, %arg6: memref<2x10240x128xf32, #tpu.memory_space<hbm>>, %arg7: memref<10000xi32, #tpu.memory_space<vmem>>, %arg8: memref<125x80xi32, #tpu.memory_space<vmem>>, %arg9: memref<2x80x128xf32, #tpu.memory_space<vmem>>, %arg10: memref<10240x128xf32, #tpu.memory_space<vmem_shared>>, %arg11: memref<!tpu.dma_semaphore, #tpu.memory_space<semaphore_mem>>, %arg12: memref<!tpu.dma_semaphore, #tpu.memory_space<semaphore_mem>>) attributes {dimension_semantics = [#tpu.dimension_semantics<core_parallel>, #tpu.dimension_semantics<subcore_parallel>], iteration_bounds = array<i64: 2, 16>, scalar_prefetch = 0 : i64, scratch_operands = 6 : i64, tpu.core_type = #tpu.core_type<sc_vector_subcore>, window_params = [{transform_indices = #map}, {transform_indices = #map1}, {transform_indices = #map2}, {transform_indices = #map}, {transform_indices = #map2}]} {
    %mul3A = arith.constant 16 : i32
    %mul3A_0 = arith.muli %arg0, %mul3A : i32
    %add3A = arith.addi %mul3A_0, %arg1 : i32
    %mul3A_1 = arith.constant 10000 : i32
    %mul3A_2 = arith.muli %add3A, %mul3A_1 : i32
    %dma_start3A = tpu.memref_slice %arg3[%mul3A_2] : memref<320000xi32, #tpu.memory_space<hbm>> -> memref<10000xi32, #tpu.memory_space<hbm>>
    %dma_start3A_3 = tpu.memref_slice %arg3[%mul3A_2] : memref<320000xi32, #tpu.memory_space<hbm>> -> memref<10000xi32, #tpu.memory_space<hbm>>
    tpu.enqueue_dma source(%dma_start3A_3 : memref<10000xi32, #tpu.memory_space<hbm>>) target(%arg7 : memref<10000xi32, #tpu.memory_space<vmem>>) target_semaphore(%arg11 : memref<!tpu.dma_semaphore, #tpu.memory_space<semaphore_mem>>)
    %dma_start3A_4 = arith.constant 0 : i32
    %dma_start3A_5 = arith.constant 0 : i32
    %dma_start3A_6 = tpu.memref_slice %arg4[%add3A, %dma_start3A_4, %dma_start3A_5] : memref<32x125x80xi32, #tpu.memory_space<hbm>> -> memref<1x125x80xi32, #tpu.memory_space<hbm>>
    %dma_start3A_7 = tpu.memref_squeeze %dma_start3A_6 : memref<1x125x80xi32, #tpu.memory_space<hbm>> -> memref<125x80xi32, #tpu.memory_space<hbm>>
    %dma_start3A_8 = arith.constant 0 : i32
    %dma_start3A_9 = arith.constant 0 : i32
    %dma_start3A_10 = tpu.memref_slice %arg4[%add3A, %dma_start3A_8, %dma_start3A_9] : memref<32x125x80xi32, #tpu.memory_space<hbm>> -> memref<1x125x80xi32, #tpu.memory_space<hbm>>
    %dma_start3A_11 = tpu.memref_squeeze %dma_start3A_10 : memref<1x125x80xi32, #tpu.memory_space<hbm>> -> memref<125x80xi32, #tpu.memory_space<hbm>>
    tpu.enqueue_dma source(%dma_start3A_11 : memref<125x80xi32, #tpu.memory_space<hbm>>) target(%arg8 : memref<125x80xi32, #tpu.memory_space<vmem>>) target_semaphore(%arg11 : memref<!tpu.dma_semaphore, #tpu.memory_space<semaphore_mem>>)
    %mul3A_12 = arith.constant 640 : i32
    %mul3A_13 = arith.muli %arg1, %mul3A_12 : i32
    %mul3A_14 = arith.constant 640 : i32
    %mul3A_15 = arith.muli %arg1, %mul3A_14 : i32
    %dma_start3A_16 = arith.constant 0 : i32
    %dma_start3A_17 = tpu.memref_slice %arg10[%mul3A_15, %dma_start3A_16] : memref<10240x128xf32, #tpu.memory_space<vmem_shared>> -> memref<640x128xf32, #tpu.memory_space<vmem_shared>>
    %dma_start3A_18 = arith.constant 0 : i32
    %dma_start3A_19 = tpu.memref_slice %arg5[%mul3A_13, %dma_start3A_18] : memref<10240x128xf32, #tpu.memory_space<hbm>> -> memref<640x128xf32, #tpu.memory_space<hbm>>
    tpu.enqueue_dma source(%dma_start3A_19 : memref<640x128xf32, #tpu.memory_space<hbm>>) target(%dma_start3A_17 : memref<640x128xf32, #tpu.memory_space<vmem_shared>>) target_semaphore(%arg12 : memref<!tpu.dma_semaphore, #tpu.memory_space<semaphore_mem>>)
    %mul3A_20 = arith.constant 10000 : i32
    %mul3A_21 = arith.muli %add3A, %mul3A_20 : i32
    %dma_wait3A = tpu.memref_slice %arg3[%mul3A_21] : memref<320000xi32, #tpu.memory_space<hbm>> -> memref<10000xi32, #tpu.memory_space<hbm>>
    %dma_wait3A_22 = tpu.memref_slice %arg3[%mul3A_21] : memref<320000xi32, #tpu.memory_space<hbm>> -> memref<10000xi32, #tpu.memory_space<hbm>>
    tpu.wait_dma2 semaphore(%arg11 : memref<!tpu.dma_semaphore, #tpu.memory_space<semaphore_mem>>) src(%dma_wait3A_22 : memref<10000xi32, #tpu.memory_space<hbm>>) dst(%arg7 : memref<10000xi32, #tpu.memory_space<vmem>>)
    %dma_wait3A_23 = arith.constant 0 : i32
    %dma_wait3A_24 = arith.constant 0 : i32
    %dma_wait3A_25 = tpu.memref_slice %arg4[%add3A, %dma_wait3A_23, %dma_wait3A_24] : memref<32x125x80xi32, #tpu.memory_space<hbm>> -> memref<1x125x80xi32, #tpu.memory_space<hbm>>
    %dma_wait3A_26 = tpu.memref_squeeze %dma_wait3A_25 : memref<1x125x80xi32, #tpu.memory_space<hbm>> -> memref<125x80xi32, #tpu.memory_space<hbm>>
    %dma_wait3A_27 = arith.constant 0 : i32
    %dma_wait3A_28 = arith.constant 0 : i32
    %dma_wait3A_29 = tpu.memref_slice %arg4[%add3A, %dma_wait3A_27, %dma_wait3A_28] : memref<32x125x80xi32, #tpu.memory_space<hbm>> -> memref<1x125x80xi32, #tpu.memory_space<hbm>>
    %dma_wait3A_30 = tpu.memref_squeeze %dma_wait3A_29 : memref<1x125x80xi32, #tpu.memory_space<hbm>> -> memref<125x80xi32, #tpu.memory_space<hbm>>
    tpu.wait_dma2 semaphore(%arg11 : memref<!tpu.dma_semaphore, #tpu.memory_space<semaphore_mem>>) src(%dma_wait3A_30 : memref<125x80xi32, #tpu.memory_space<hbm>>) dst(%arg8 : memref<125x80xi32, #tpu.memory_space<vmem>>)
    %mul3A_31 = arith.constant 640 : i32
    %mul3A_32 = arith.muli %arg1, %mul3A_31 : i32
    %mul3A_33 = arith.constant 640 : i32
    %mul3A_34 = arith.muli %arg1, %mul3A_33 : i32
    %dma_wait3A_35 = arith.constant 0 : i32
    %dma_wait3A_36 = tpu.memref_slice %arg10[%mul3A_34, %dma_wait3A_35] : memref<10240x128xf32, #tpu.memory_space<vmem_shared>> -> memref<640x128xf32, #tpu.memory_space<vmem_shared>>
    %dma_wait3A_37 = arith.constant 0 : i32
    %dma_wait3A_38 = tpu.memref_slice %arg5[%mul3A_32, %dma_wait3A_37] : memref<10240x128xf32, #tpu.memory_space<hbm>> -> memref<640x128xf32, #tpu.memory_space<hbm>>
    tpu.wait_dma2 semaphore(%arg12 : memref<!tpu.dma_semaphore, #tpu.memory_space<semaphore_mem>>) src(%dma_wait3A_38 : memref<640x128xf32, #tpu.memory_space<hbm>>) dst(%dma_wait3A_36 : memref<640x128xf32, #tpu.memory_space<vmem_shared>>)
    %barrier3A = arith.constant 0 : index
    tpu.barrier barrier_id(%barrier3A)
    %dma_start3A_39 = arith.constant 0 : i32
    %dma_start3A_40 = arith.constant 0 : i32
    %dma_start3A_41 = arith.constant 0 : i32
    %dma_start3A_42 = tpu.memref_slice %arg9[%dma_start3A_39, %dma_start3A_40, %dma_start3A_41] : memref<2x80x128xf32, #tpu.memory_space<vmem>> -> memref<1x80x128xf32, #tpu.memory_space<vmem>>
    %dma_start3A_43 = tpu.memref_squeeze %dma_start3A_42 : memref<1x80x128xf32, #tpu.memory_space<vmem>> -> memref<80x128xf32, #tpu.memory_space<vmem>>
    %dma_start3A_44 = arith.constant 0 : i32
    %dma_start3A_45 = tpu.memref_slice %arg7[%dma_start3A_44] : memref<10000xi32, #tpu.memory_space<vmem>> -> memref<80xi32, #tpu.memory_space<vmem>>
    %dma_start3A_46 = arith.constant 0 : i32
    %dma_start3A_47 = arith.constant 0 : i32
    %dma_start3A_48 = tpu.memref_slice %arg2[%dma_start3A_46, %dma_start3A_47] : memref<10000x128xf32, #tpu.memory_space<hbm>> -> memref<10000x128xf32, #tpu.memory_space<hbm>>
    tpu.enqueue_indirect_dma source(%dma_start3A_48 : memref<10000x128xf32, #tpu.memory_space<hbm>>) target(%dma_start3A_43 : memref<80x128xf32, #tpu.memory_space<vmem>>) offsets(%dma_start3A_45 : memref<80xi32, #tpu.memory_space<vmem>>) semaphore(%arg11 : memref<!tpu.dma_semaphore, #tpu.memory_space<semaphore_mem>>)
    %dma_wait3A_49 = arith.constant 0 : i32
    %dma_wait3A_50 = arith.constant 0 : i32
    %dma_wait3A_51 = arith.constant 0 : i32
    %dma_wait3A_52 = tpu.memref_slice %arg9[%dma_wait3A_49, %dma_wait3A_50, %dma_wait3A_51] : memref<2x80x128xf32, #tpu.memory_space<vmem>> -> memref<1x80x128xf32, #tpu.memory_space<vmem>>
    %dma_wait3A_53 = tpu.memref_squeeze %dma_wait3A_52 : memref<1x80x128xf32, #tpu.memory_space<vmem>> -> memref<80x128xf32, #tpu.memory_space<vmem>>
    %dma_wait3A_54 = arith.constant 0 : i32
    %dma_wait3A_55 = tpu.memref_slice %arg7[%dma_wait3A_54] : memref<10000xi32, #tpu.memory_space<vmem>> -> memref<80xi32, #tpu.memory_space<vmem>>
    %dma_wait3A_56 = arith.constant 0 : i32
    %dma_wait3A_57 = arith.constant 0 : i32
    %dma_wait3A_58 = tpu.memref_slice %arg2[%dma_wait3A_56, %dma_wait3A_57] : memref<10000x128xf32, #tpu.memory_space<hbm>> -> memref<10000x128xf32, #tpu.memory_space<hbm>>
    tpu.wait_indirect_dma semaphore(%arg11 : memref<!tpu.dma_semaphore, #tpu.memory_space<semaphore_mem>>) src(%dma_wait3A_58 : memref<10000x128xf32, #tpu.memory_space<hbm>>) dst(%dma_wait3A_53 : memref<80x128xf32, #tpu.memory_space<vmem>>)
    %dma_start3A_59 = arith.constant 0 : i32
    %dma_start3A_60 = arith.constant 0 : i32
    %dma_start3A_61 = arith.constant 0 : i32
    %dma_start3A_62 = arith.constant 0 : i32
    %dma_start3A_63 = tpu.memref_slice %arg9[%dma_start3A_59, %dma_start3A_61, %dma_start3A_62] : memref<2x80x128xf32, #tpu.memory_space<vmem>> -> memref<1x80x128xf32, #tpu.memory_space<vmem>>
    %dma_start3A_64 = tpu.memref_squeeze %dma_start3A_63 : memref<1x80x128xf32, #tpu.memory_space<vmem>> -> memref<80x128xf32, #tpu.memory_space<vmem>>
    %dma_start3A_65 = arith.constant 0 : i32
    %dma_start3A_66 = tpu.memref_slice %arg8[%dma_start3A_60, %dma_start3A_65] : memref<125x80xi32, #tpu.memory_space<vmem>> -> memref<1x80xi32, #tpu.memory_space<vmem>>
    %dma_start3A_67 = tpu.memref_squeeze %dma_start3A_66 : memref<1x80xi32, #tpu.memory_space<vmem>> -> memref<80xi32, #tpu.memory_space<vmem>>
    %dma_start3A_68 = arith.constant 0 : i32
    %dma_start3A_69 = arith.constant 0 : i32
    %dma_start3A_70 = tpu.memref_slice %arg10[%dma_start3A_68, %dma_start3A_69] : memref<10240x128xf32, #tpu.memory_space<vmem_shared>> -> memref<10240x128xf32, #tpu.memory_space<vmem_shared>>
    tpu.enqueue_indirect_dma source(%dma_start3A_64 : memref<80x128xf32, #tpu.memory_space<vmem>>) target(%dma_start3A_70 : memref<10240x128xf32, #tpu.memory_space<vmem_shared>>) offsets(%dma_start3A_67 : memref<80xi32, #tpu.memory_space<vmem>>) semaphore(%arg12 : memref<!tpu.dma_semaphore, #tpu.memory_space<semaphore_mem>>) {add = true}
    %dma_start3A_71 = arith.constant 1 : i32
    %dma_start3A_72 = arith.constant 0 : i32
    %dma_start3A_73 = arith.constant 0 : i32
    %dma_start3A_74 = tpu.memref_slice %arg9[%dma_start3A_71, %dma_start3A_72, %dma_start3A_73] : memref<2x80x128xf32, #tpu.memory_space<vmem>> -> memref<1x80x128xf32, #tpu.memory_space<vmem>>
    %dma_start3A_75 = tpu.memref_squeeze %dma_start3A_74 : memref<1x80x128xf32, #tpu.memory_space<vmem>> -> memref<80x128xf32, #tpu.memory_space<vmem>>
    %dma_start3A_76 = arith.constant 80 : i32
    %dma_start3A_77 = tpu.memref_slice %arg7[%dma_start3A_76] : memref<10000xi32, #tpu.memory_space<vmem>> -> memref<80xi32, #tpu.memory_space<vmem>>
    %dma_start3A_78 = arith.constant 0 : i32
    %dma_start3A_79 = arith.constant 0 : i32
    %dma_start3A_80 = tpu.memref_slice %arg2[%dma_start3A_78, %dma_start3A_79] : memref<10000x128xf32, #tpu.memory_space<hbm>> -> memref<10000x128xf32, #tpu.memory_space<hbm>>
    tpu.enqueue_indirect_dma source(%dma_start3A_80 : memref<10000x128xf32, #tpu.memory_space<hbm>>) target(%dma_start3A_75 : memref<80x128xf32, #tpu.memory_space<vmem>>) offsets(%dma_start3A_77 : memref<80xi32, #tpu.memory_space<vmem>>) semaphore(%arg11 : memref<!tpu.dma_semaphore, #tpu.memory_space<semaphore_mem>>)
    %scan3A = arith.constant 0 : i32
    %scan3A_81 = arith.constant 1 : i32
    %scan3A_82 = arith.constant 123 : i32
    %scan3A_83 = arith.addi %scan3A_81, %scan3A_82 : i32
    %scan3A_84 = arith.constant 1 : i32
    scf.for %scan3A_137 = %scan3A_81 to %scan3A_83 step %scan3A_84  : i32 {
      %rem3A = arith.constant 2 : i32
      %rem3A_138 = arith.remsi %scan3A_137, %rem3A : i32
      %dma_wait3A_139 = arith.constant 0 : i32
      %dma_wait3A_140 = arith.constant 0 : i32
      %dma_wait3A_141 = tpu.memref_slice %arg9[%rem3A_138, %dma_wait3A_139, %dma_wait3A_140] : memref<2x80x128xf32, #tpu.memory_space<vmem>> -> memref<1x80x128xf32, #tpu.memory_space<vmem>>
      %dma_wait3A_142 = tpu.memref_squeeze %dma_wait3A_141 : memref<1x80x128xf32, #tpu.memory_space<vmem>> -> memref<80x128xf32, #tpu.memory_space<vmem>>
      %dma_wait3A_143 = arith.constant 0 : i32
      %dma_wait3A_144 = tpu.memref_slice %arg7[%dma_wait3A_143] : memref<10000xi32, #tpu.memory_space<vmem>> -> memref<80xi32, #tpu.memory_space<vmem>>
      %dma_wait3A_145 = arith.constant 0 : i32
      %dma_wait3A_146 = arith.constant 0 : i32
      %dma_wait3A_147 = tpu.memref_slice %arg2[%dma_wait3A_145, %dma_wait3A_146] : memref<10000x128xf32, #tpu.memory_space<hbm>> -> memref<10000x128xf32, #tpu.memory_space<hbm>>
      tpu.wait_indirect_dma semaphore(%arg11 : memref<!tpu.dma_semaphore, #tpu.memory_space<semaphore_mem>>) src(%dma_wait3A_147 : memref<10000x128xf32, #tpu.memory_space<hbm>>) dst(%dma_wait3A_142 : memref<80x128xf32, #tpu.memory_space<vmem>>)
      %dma_start3A_148 = arith.constant 0 : i32
      %dma_start3A_149 = arith.constant 0 : i32
      %dma_start3A_150 = tpu.memref_slice %arg9[%rem3A_138, %dma_start3A_148, %dma_start3A_149] : memref<2x80x128xf32, #tpu.memory_space<vmem>> -> memref<1x80x128xf32, #tpu.memory_space<vmem>>
      %dma_start3A_151 = tpu.memref_squeeze %dma_start3A_150 : memref<1x80x128xf32, #tpu.memory_space<vmem>> -> memref<80x128xf32, #tpu.memory_space<vmem>>
      %dma_start3A_152 = arith.constant 0 : i32
      %dma_start3A_153 = tpu.memref_slice %arg8[%scan3A_137, %dma_start3A_152] : memref<125x80xi32, #tpu.memory_space<vmem>> -> memref<1x80xi32, #tpu.memory_space<vmem>>
      %dma_start3A_154 = tpu.memref_squeeze %dma_start3A_153 : memref<1x80xi32, #tpu.memory_space<vmem>> -> memref<80xi32, #tpu.memory_space<vmem>>
      %dma_start3A_155 = arith.constant 0 : i32
      %dma_start3A_156 = arith.constant 0 : i32
      %dma_start3A_157 = tpu.memref_slice %arg10[%dma_start3A_155, %dma_start3A_156] : memref<10240x128xf32, #tpu.memory_space<vmem_shared>> -> memref<10240x128xf32, #tpu.memory_space<vmem_shared>>
      tpu.enqueue_indirect_dma source(%dma_start3A_151 : memref<80x128xf32, #tpu.memory_space<vmem>>) target(%dma_start3A_157 : memref<10240x128xf32, #tpu.memory_space<vmem_shared>>) offsets(%dma_start3A_154 : memref<80xi32, #tpu.memory_space<vmem>>) semaphore(%arg12 : memref<!tpu.dma_semaphore, #tpu.memory_space<semaphore_mem>>) {add = true}
      %sub3A = arith.constant 1 : i32
      %sub3A_158 = arith.subi %sub3A, %rem3A_138 : i32
      %dma_wait3A_159 = arith.constant 0 : i32
      %dma_wait3A_160 = arith.constant 0 : i32
      %dma_wait3A_161 = arith.constant 0 : i32
      %dma_wait3A_162 = tpu.memref_slice %arg9[%sub3A_158, %dma_wait3A_160, %dma_wait3A_161] : memref<2x80x128xf32, #tpu.memory_space<vmem>> -> memref<1x80x128xf32, #tpu.memory_space<vmem>>
      %dma_wait3A_163 = tpu.memref_squeeze %dma_wait3A_162 : memref<1x80x128xf32, #tpu.memory_space<vmem>> -> memref<80x128xf32, #tpu.memory_space<vmem>>
      %dma_wait3A_164 = arith.constant 0 : i32
      %dma_wait3A_165 = tpu.memref_slice %arg8[%dma_wait3A_159, %dma_wait3A_164] : memref<125x80xi32, #tpu.memory_space<vmem>> -> memref<1x80xi32, #tpu.memory_space<vmem>>
      %dma_wait3A_166 = tpu.memref_squeeze %dma_wait3A_165 : memref<1x80xi32, #tpu.memory_space<vmem>> -> memref<80xi32, #tpu.memory_space<vmem>>
      %dma_wait3A_167 = arith.constant 0 : i32
      %dma_wait3A_168 = arith.constant 0 : i32
      %dma_wait3A_169 = tpu.memref_slice %arg10[%dma_wait3A_167, %dma_wait3A_168] : memref<10240x128xf32, #tpu.memory_space<vmem_shared>> -> memref<10240x128xf32, #tpu.memory_space<vmem_shared>>
      tpu.wait_indirect_dma semaphore(%arg12 : memref<!tpu.dma_semaphore, #tpu.memory_space<semaphore_mem>>) src(%dma_wait3A_163 : memref<80x128xf32, #tpu.memory_space<vmem>>) dst(%dma_wait3A_169 : memref<10240x128xf32, #tpu.memory_space<vmem_shared>>)
      %add3A_170 = arith.constant 1 : i32
      %add3A_171 = arith.addi %scan3A_137, %add3A_170 : i32
      %sub3A_172 = arith.constant 1 : i32
      %sub3A_173 = arith.subi %sub3A_172, %rem3A_138 : i32
      %mul3A_174 = arith.constant 80 : i32
      %mul3A_175 = arith.muli %add3A_171, %mul3A_174 : i32
      %dma_start3A_176 = arith.constant 0 : i32
      %dma_start3A_177 = arith.constant 0 : i32
      %dma_start3A_178 = tpu.memref_slice %arg9[%sub3A_173, %dma_start3A_176, %dma_start3A_177] : memref<2x80x128xf32, #tpu.memory_space<vmem>> -> memref<1x80x128xf32, #tpu.memory_space<vmem>>
      %dma_start3A_179 = tpu.memref_squeeze %dma_start3A_178 : memref<1x80x128xf32, #tpu.memory_space<vmem>> -> memref<80x128xf32, #tpu.memory_space<vmem>>
      %dma_start3A_180 = tpu.memref_slice %arg7[%mul3A_175] : memref<10000xi32, #tpu.memory_space<vmem>> -> memref<80xi32, #tpu.memory_space<vmem>>
      %dma_start3A_181 = arith.constant 0 : i32
      %dma_start3A_182 = arith.constant 0 : i32
      %dma_start3A_183 = tpu.memref_slice %arg2[%dma_start3A_181, %dma_start3A_182] : memref<10000x128xf32, #tpu.memory_space<hbm>> -> memref<10000x128xf32, #tpu.memory_space<hbm>>
      tpu.enqueue_indirect_dma source(%dma_start3A_183 : memref<10000x128xf32, #tpu.memory_space<hbm>>) target(%dma_start3A_179 : memref<80x128xf32, #tpu.memory_space<vmem>>) offsets(%dma_start3A_180 : memref<80xi32, #tpu.memory_space<vmem>>) semaphore(%arg11 : memref<!tpu.dma_semaphore, #tpu.memory_space<semaphore_mem>>)
    }
    %scan3A_85 = arith.constant 123 : i32
    %dma_wait3A_86 = arith.constant 0 : i32
    %dma_wait3A_87 = arith.constant 0 : i32
    %dma_wait3A_88 = arith.constant 0 : i32
    %dma_wait3A_89 = tpu.memref_slice %arg9[%dma_wait3A_86, %dma_wait3A_87, %dma_wait3A_88] : memref<2x80x128xf32, #tpu.memory_space<vmem>> -> memref<1x80x128xf32, #tpu.memory_space<vmem>>
    %dma_wait3A_90 = tpu.memref_squeeze %dma_wait3A_89 : memref<1x80x128xf32, #tpu.memory_space<vmem>> -> memref<80x128xf32, #tpu.memory_space<vmem>>
    %dma_wait3A_91 = arith.constant 0 : i32
    %dma_wait3A_92 = tpu.memref_slice %arg7[%dma_wait3A_91] : memref<10000xi32, #tpu.memory_space<vmem>> -> memref<80xi32, #tpu.memory_space<vmem>>
    %dma_wait3A_93 = arith.constant 0 : i32
    %dma_wait3A_94 = arith.constant 0 : i32
    %dma_wait3A_95 = tpu.memref_slice %arg2[%dma_wait3A_93, %dma_wait3A_94] : memref<10000x128xf32, #tpu.memory_space<hbm>> -> memref<10000x128xf32, #tpu.memory_space<hbm>>
    tpu.wait_indirect_dma semaphore(%arg11 : memref<!tpu.dma_semaphore, #tpu.memory_space<semaphore_mem>>) src(%dma_wait3A_95 : memref<10000x128xf32, #tpu.memory_space<hbm>>) dst(%dma_wait3A_90 : memref<80x128xf32, #tpu.memory_space<vmem>>)
    %dma_start3A_96 = arith.constant 0 : i32
    %dma_start3A_97 = arith.constant 124 : i32
    %dma_start3A_98 = arith.constant 0 : i32
    %dma_start3A_99 = arith.constant 0 : i32
    %dma_start3A_100 = tpu.memref_slice %arg9[%dma_start3A_96, %dma_start3A_98, %dma_start3A_99] : memref<2x80x128xf32, #tpu.memory_space<vmem>> -> memref<1x80x128xf32, #tpu.memory_space<vmem>>
    %dma_start3A_101 = tpu.memref_squeeze %dma_start3A_100 : memref<1x80x128xf32, #tpu.memory_space<vmem>> -> memref<80x128xf32, #tpu.memory_space<vmem>>
    %dma_start3A_102 = arith.constant 0 : i32
    %dma_start3A_103 = tpu.memref_slice %arg8[%dma_start3A_97, %dma_start3A_102] : memref<125x80xi32, #tpu.memory_space<vmem>> -> memref<1x80xi32, #tpu.memory_space<vmem>>
    %dma_start3A_104 = tpu.memref_squeeze %dma_start3A_103 : memref<1x80xi32, #tpu.memory_space<vmem>> -> memref<80xi32, #tpu.memory_space<vmem>>
    %dma_start3A_105 = arith.constant 0 : i32
    %dma_start3A_106 = arith.constant 0 : i32
    %dma_start3A_107 = tpu.memref_slice %arg10[%dma_start3A_105, %dma_start3A_106] : memref<10240x128xf32, #tpu.memory_space<vmem_shared>> -> memref<10240x128xf32, #tpu.memory_space<vmem_shared>>
    tpu.enqueue_indirect_dma source(%dma_start3A_101 : memref<80x128xf32, #tpu.memory_space<vmem>>) target(%dma_start3A_107 : memref<10240x128xf32, #tpu.memory_space<vmem_shared>>) offsets(%dma_start3A_104 : memref<80xi32, #tpu.memory_space<vmem>>) semaphore(%arg12 : memref<!tpu.dma_semaphore, #tpu.memory_space<semaphore_mem>>) {add = true}
    %dma_wait3A_108 = arith.constant 0 : i32
    %dma_wait3A_109 = arith.constant 0 : i32
    %dma_wait3A_110 = arith.constant 0 : i32
    %dma_wait3A_111 = arith.constant 0 : i32
    %dma_wait3A_112 = tpu.memref_slice %arg9[%dma_wait3A_108, %dma_wait3A_110, %dma_wait3A_111] : memref<2x80x128xf32, #tpu.memory_space<vmem>> -> memref<1x80x128xf32, #tpu.memory_space<vmem>>
    %dma_wait3A_113 = tpu.memref_squeeze %dma_wait3A_112 : memref<1x80x128xf32, #tpu.memory_space<vmem>> -> memref<80x128xf32, #tpu.memory_space<vmem>>
    %dma_wait3A_114 = arith.constant 0 : i32
    %dma_wait3A_115 = tpu.memref_slice %arg8[%dma_wait3A_109, %dma_wait3A_114] : memref<125x80xi32, #tpu.memory_space<vmem>> -> memref<1x80xi32, #tpu.memory_space<vmem>>
    %dma_wait3A_116 = tpu.memref_squeeze %dma_wait3A_115 : memref<1x80xi32, #tpu.memory_space<vmem>> -> memref<80xi32, #tpu.memory_space<vmem>>
    %dma_wait3A_117 = arith.constant 0 : i32
    %dma_wait3A_118 = arith.constant 0 : i32
    %dma_wait3A_119 = tpu.memref_slice %arg10[%dma_wait3A_117, %dma_wait3A_118] : memref<10240x128xf32, #tpu.memory_space<vmem_shared>> -> memref<10240x128xf32, #tpu.memory_space<vmem_shared>>
    tpu.wait_indirect_dma semaphore(%arg12 : memref<!tpu.dma_semaphore, #tpu.memory_space<semaphore_mem>>) src(%dma_wait3A_113 : memref<80x128xf32, #tpu.memory_space<vmem>>) dst(%dma_wait3A_119 : memref<10240x128xf32, #tpu.memory_space<vmem_shared>>)
    %dma_wait3A_120 = arith.constant 1 : i32
    %dma_wait3A_121 = arith.constant 0 : i32
    %dma_wait3A_122 = arith.constant 0 : i32
    %dma_wait3A_123 = arith.constant 0 : i32
    %dma_wait3A_124 = tpu.memref_slice %arg9[%dma_wait3A_120, %dma_wait3A_122, %dma_wait3A_123] : memref<2x80x128xf32, #tpu.memory_space<vmem>> -> memref<1x80x128xf32, #tpu.memory_space<vmem>>
    %dma_wait3A_125 = tpu.memref_squeeze %dma_wait3A_124 : memref<1x80x128xf32, #tpu.memory_space<vmem>> -> memref<80x128xf32, #tpu.memory_space<vmem>>
    %dma_wait3A_126 = arith.constant 0 : i32
    %dma_wait3A_127 = tpu.memref_slice %arg8[%dma_wait3A_121, %dma_wait3A_126] : memref<125x80xi32, #tpu.memory_space<vmem>> -> memref<1x80xi32, #tpu.memory_space<vmem>>
    %dma_wait3A_128 = tpu.memref_squeeze %dma_wait3A_127 : memref<1x80xi32, #tpu.memory_space<vmem>> -> memref<80xi32, #tpu.memory_space<vmem>>
    %dma_wait3A_129 = arith.constant 0 : i32
    %dma_wait3A_130 = arith.constant 0 : i32
    %dma_wait3A_131 = tpu.memref_slice %arg10[%dma_wait3A_129, %dma_wait3A_130] : memref<10240x128xf32, #tpu.memory_space<vmem_shared>> -> memref<10240x128xf32, #tpu.memory_space<vmem_shared>>
    tpu.wait_indirect_dma semaphore(%arg12 : memref<!tpu.dma_semaphore, #tpu.memory_space<semaphore_mem>>) src(%dma_wait3A_125 : memref<80x128xf32, #tpu.memory_space<vmem>>) dst(%dma_wait3A_131 : memref<10240x128xf32, #tpu.memory_space<vmem_shared>>)
    %barrier3A_132 = arith.constant 0 : index
    tpu.barrier barrier_id(%barrier3A_132)
    %mul3A_133 = arith.constant 640 : i32
    %mul3A_134 = arith.muli %arg1, %mul3A_133 : i32
    %mul3A_135 = arith.constant 640 : i32
    %mul3A_136 = arith.muli %arg1, %mul3A_135 : i32
    "tpu.region"() ({
      %run_scoped3A = tpu.sem_alloc : memref<!tpu.dma_semaphore, #tpu.memory_space<semaphore_mem>>
      %dma_start3A_137 = arith.constant 0 : i32
      %dma_start3A_138 = tpu.memref_slice %arg6[%arg0, %mul3A_136, %dma_start3A_137] : memref<2x10240x128xf32, #tpu.memory_space<hbm>> -> memref<1x640x128xf32, #tpu.memory_space<hbm>>
      %dma_start3A_139 = tpu.memref_squeeze %dma_start3A_138 : memref<1x640x128xf32, #tpu.memory_space<hbm>> -> memref<640x128xf32, #tpu.memory_space<hbm>>
      %dma_start3A_140 = arith.constant 0 : i32
      %dma_start3A_141 = tpu.memref_slice %arg10[%mul3A_134, %dma_start3A_140] : memref<10240x128xf32, #tpu.memory_space<vmem_shared>> -> memref<640x128xf32, #tpu.memory_space<vmem_shared>>
      tpu.enqueue_dma source(%dma_start3A_141 : memref<640x128xf32, #tpu.memory_space<vmem_shared>>) target(%dma_start3A_139 : memref<640x128xf32, #tpu.memory_space<hbm>>) target_semaphore(%run_scoped3A : memref<!tpu.dma_semaphore, #tpu.memory_space<semaphore_mem>>)
      %dma_wait3A_142 = arith.constant 0 : i32
      %dma_wait3A_143 = tpu.memref_slice %arg6[%arg0, %mul3A_136, %dma_wait3A_142] : memref<2x10240x128xf32, #tpu.memory_space<hbm>> -> memref<1x640x128xf32, #tpu.memory_space<hbm>>
      %dma_wait3A_144 = tpu.memref_squeeze %dma_wait3A_143 : memref<1x640x128xf32, #tpu.memory_space<hbm>> -> memref<640x128xf32, #tpu.memory_space<hbm>>
      %dma_wait3A_145 = arith.constant 0 : i32
      %dma_wait3A_146 = tpu.memref_slice %arg10[%mul3A_134, %dma_wait3A_145] : memref<10240x128xf32, #tpu.memory_space<vmem_shared>> -> memref<640x128xf32, #tpu.memory_space<vmem_shared>>
      tpu.wait_dma2 semaphore(%run_scoped3A : memref<!tpu.dma_semaphore, #tpu.memory_space<semaphore_mem>>) src(%dma_wait3A_146 : memref<640x128xf32, #tpu.memory_space<vmem_shared>>) dst(%dma_wait3A_144 : memref<640x128xf32, #tpu.memory_space<hbm>>)
      tpu.yield
    }) : () -> ()
    return
  }
}

#map = affine_map<(d0, d1) -> (0)>
module attributes {stable_mosaic.version = 14 : i64} {
  func.func @hist(%arg0: i32, %arg1: i32, %arg2: memref<320000xi32, #tpu.memory_space<hbm>>, %arg3: memref<320000xi32, #tpu.memory_space<hbm>>, %arg4: memref<40960xf32, #tpu.memory_space<hbm>>, %arg5: memref<10000xi32, #tpu.memory_space<vmem>>, %arg6: memref<10000xi32, #tpu.memory_space<vmem>>, %arg7: memref<10240xf32, #tpu.memory_space<vmem>>, %arg8: memref<10240xf32, #tpu.memory_space<vmem>>, %arg9: memref<640xf32, #tpu.memory_space<vmem>>, %arg10: memref<640xf32, #tpu.memory_space<vmem>>, %arg11: memref<327680xf32, #tpu.memory_space<vmem_shared>>) attributes {dimension_semantics = [#tpu.dimension_semantics<core_parallel>, #tpu.dimension_semantics<subcore_parallel>], iteration_bounds = array<i64: 2, 16>, scalar_prefetch = 0 : i64, scratch_operands = 7 : i64, tpu.core_type = #tpu.core_type<sc_vector_subcore>, window_params = [{transform_indices = #map}, {transform_indices = #map}, {transform_indices = #map}]} {
    %mul3A = arith.constant 16 : i32
    %mul3A_0 = arith.muli %arg0, %mul3A : i32
    %add3A = arith.addi %mul3A_0, %arg1 : i32
    %broadcast_in_dim3A = arith.constant 0.000000e+00 : f32
    %broadcast_in_dim3A_1 = vector.broadcast %broadcast_in_dim3A : f32 to vector<16xf32>
    %broadcast_in_dim3A_2 = arith.constant 1.000000e+00 : f32
    %broadcast_in_dim3A_3 = vector.broadcast %broadcast_in_dim3A_2 : f32 to vector<16xf32>
    %mul3A_4 = arith.constant 10000 : i32
    %mul3A_5 = arith.muli %add3A, %mul3A_4 : i32
    "tpu.region"() ({
      %run_scoped3A = tpu.sem_alloc : memref<!tpu.dma_semaphore, #tpu.memory_space<semaphore_mem>>
      %dma_start3A = tpu.memref_slice %arg2[%mul3A_5] : memref<320000xi32, #tpu.memory_space<hbm>> -> memref<10000xi32, #tpu.memory_space<hbm>>
      %dma_start3A_71 = tpu.memref_slice %arg2[%mul3A_5] : memref<320000xi32, #tpu.memory_space<hbm>> -> memref<10000xi32, #tpu.memory_space<hbm>>
      tpu.enqueue_dma source(%dma_start3A_71 : memref<10000xi32, #tpu.memory_space<hbm>>) target(%arg5 : memref<10000xi32, #tpu.memory_space<vmem>>) target_semaphore(%run_scoped3A : memref<!tpu.dma_semaphore, #tpu.memory_space<semaphore_mem>>)
      %dma_wait3A = tpu.memref_slice %arg2[%mul3A_5] : memref<320000xi32, #tpu.memory_space<hbm>> -> memref<10000xi32, #tpu.memory_space<hbm>>
      %dma_wait3A_72 = tpu.memref_slice %arg2[%mul3A_5] : memref<320000xi32, #tpu.memory_space<hbm>> -> memref<10000xi32, #tpu.memory_space<hbm>>
      tpu.wait_dma2 semaphore(%run_scoped3A : memref<!tpu.dma_semaphore, #tpu.memory_space<semaphore_mem>>) src(%dma_wait3A_72 : memref<10000xi32, #tpu.memory_space<hbm>>) dst(%arg5 : memref<10000xi32, #tpu.memory_space<vmem>>)
      tpu.yield
    }) : () -> ()
    %mul3A_6 = arith.constant 10000 : i32
    %mul3A_7 = arith.muli %add3A, %mul3A_6 : i32
    "tpu.region"() ({
      %run_scoped3A = tpu.sem_alloc : memref<!tpu.dma_semaphore, #tpu.memory_space<semaphore_mem>>
      %dma_start3A = tpu.memref_slice %arg3[%mul3A_7] : memref<320000xi32, #tpu.memory_space<hbm>> -> memref<10000xi32, #tpu.memory_space<hbm>>
      %dma_start3A_71 = tpu.memref_slice %arg3[%mul3A_7] : memref<320000xi32, #tpu.memory_space<hbm>> -> memref<10000xi32, #tpu.memory_space<hbm>>
      tpu.enqueue_dma source(%dma_start3A_71 : memref<10000xi32, #tpu.memory_space<hbm>>) target(%arg6 : memref<10000xi32, #tpu.memory_space<vmem>>) target_semaphore(%run_scoped3A : memref<!tpu.dma_semaphore, #tpu.memory_space<semaphore_mem>>)
      %dma_wait3A = tpu.memref_slice %arg3[%mul3A_7] : memref<320000xi32, #tpu.memory_space<hbm>> -> memref<10000xi32, #tpu.memory_space<hbm>>
      %dma_wait3A_72 = tpu.memref_slice %arg3[%mul3A_7] : memref<320000xi32, #tpu.memory_space<hbm>> -> memref<10000xi32, #tpu.memory_space<hbm>>
      tpu.wait_dma2 semaphore(%run_scoped3A : memref<!tpu.dma_semaphore, #tpu.memory_space<semaphore_mem>>) src(%dma_wait3A_72 : memref<10000xi32, #tpu.memory_space<hbm>>) dst(%arg6 : memref<10000xi32, #tpu.memory_space<vmem>>)
      tpu.yield
    }) : () -> ()
    %scan3A = arith.constant 0 : i32
    %scan3A_8 = arith.constant 0 : i32
    %scan3A_9 = arith.constant 640 : i32
    %scan3A_10 = arith.addi %scan3A_8, %scan3A_9 : i32
    %scan3A_11 = arith.constant 1 : i32
    scf.for %scan3A_71 = %scan3A_8 to %scan3A_10 step %scan3A_11  : i32 {
      %mul3A_72 = arith.constant 16 : i32
      %mul3A_73 = arith.muli %scan3A_71, %mul3A_72 : i32
      %swap3A = arith.index_cast %mul3A_73 : i32 to index
      %swap3A_74 = tpu.vector_load %arg7[%swap3A] {strides = array<i32>} : memref<10240xf32, #tpu.memory_space<vmem>>, vector<16xf32>,
      tpu.vector_store %arg7[%swap3A], %broadcast_in_dim3A_1 {strides = array<i32>} : memref<10240xf32, #tpu.memory_space<vmem>>, vector<16xf32>,
      %mul3A_75 = arith.constant 16 : i32
      %mul3A_76 = arith.muli %scan3A_71, %mul3A_75 : i32
      %swap3A_77 = arith.index_cast %mul3A_76 : i32 to index
      %swap3A_78 = tpu.vector_load %arg8[%swap3A_77] {strides = array<i32>} : memref<10240xf32, #tpu.memory_space<vmem>>, vector<16xf32>,
      tpu.vector_store %arg8[%swap3A_77], %broadcast_in_dim3A_1 {strides = array<i32>} : memref<10240xf32, #tpu.memory_space<vmem>>, vector<16xf32>,
    }
    %scan3A_12 = arith.constant 640 : i32
    %iota3A = tpu.iota {dimensions = array<i32: 0>} : vector<16xi32>
    %scan3A_13 = arith.constant 0 : i32
    %scan3A_14 = arith.constant 0 : i32
    %scan3A_15 = arith.constant 625 : i32
    %scan3A_16 = arith.addi %scan3A_14, %scan3A_15 : i32
    %scan3A_17 = arith.constant 1 : i32
    scf.for %scan3A_71 = %scan3A_14 to %scan3A_16 step %scan3A_17  : i32 {
      %mul3A_72 = arith.constant 16 : i32
      %mul3A_73 = arith.muli %scan3A_71, %mul3A_72 : i32
      %add3A_74 = vector.broadcast %mul3A_73 : i32 to vector<16xi32>
      %add3A_75 = arith.addi %add3A_74, %iota3A : vector<16xi32>
      %gather3A = tpu.vector_load_idx %arg5[%add3A_75] : memref<10000xi32, #tpu.memory_space<vmem>>[vector<16xi32>], vector<16xi32>,
      tpu.vector_store_idx %arg7[%gather3A], %broadcast_in_dim3A_3 {add = true} : memref<10240xf32, #tpu.memory_space<vmem>>[vector<16xi32>], vector<16xf32>,
      %gather3A_76 = tpu.vector_load_idx %arg6[%add3A_75] : memref<10000xi32, #tpu.memory_space<vmem>>[vector<16xi32>], vector<16xi32>,
      tpu.vector_store_idx %arg8[%gather3A_76], %broadcast_in_dim3A_3 {add = true} : memref<10240xf32, #tpu.memory_space<vmem>>[vector<16xi32>], vector<16xf32>,
    }
    %scan3A_18 = arith.constant 625 : i32
    %mul3A_19 = arith.constant 2 : i32
    %mul3A_20 = arith.muli %mul3A_19, %arg1 : i32
    %mul3A_21 = arith.constant 10240 : i32
    %mul3A_22 = arith.muli %mul3A_20, %mul3A_21 : i32
    "tpu.region"() ({
      %run_scoped3A = tpu.sem_alloc : memref<!tpu.dma_semaphore, #tpu.memory_space<semaphore_mem>>
      %dma_start3A = tpu.memref_slice %arg11[%mul3A_22] : memref<327680xf32, #tpu.memory_space<vmem_shared>> -> memref<10240xf32, #tpu.memory_space<vmem_shared>>
      %dma_start3A_71 = tpu.memref_slice %arg11[%mul3A_22] : memref<327680xf32, #tpu.memory_space<vmem_shared>> -> memref<10240xf32, #tpu.memory_space<vmem_shared>>
      tpu.enqueue_dma source(%arg7 : memref<10240xf32, #tpu.memory_space<vmem>>) target(%dma_start3A_71 : memref<10240xf32, #tpu.memory_space<vmem_shared>>) target_semaphore(%run_scoped3A : memref<!tpu.dma_semaphore, #tpu.memory_space<semaphore_mem>>)
      %dma_wait3A = tpu.memref_slice %arg11[%mul3A_22] : memref<327680xf32, #tpu.memory_space<vmem_shared>> -> memref<10240xf32, #tpu.memory_space<vmem_shared>>
      %dma_wait3A_72 = tpu.memref_slice %arg11[%mul3A_22] : memref<327680xf32, #tpu.memory_space<vmem_shared>> -> memref<10240xf32, #tpu.memory_space<vmem_shared>>
      tpu.wait_dma2 semaphore(%run_scoped3A : memref<!tpu.dma_semaphore, #tpu.memory_space<semaphore_mem>>) src(%arg7 : memref<10240xf32, #tpu.memory_space<vmem>>) dst(%dma_wait3A_72 : memref<10240xf32, #tpu.memory_space<vmem_shared>>)
      tpu.yield
    }) : () -> ()
    %mul3A_23 = arith.constant 2 : i32
    %mul3A_24 = arith.muli %mul3A_23, %arg1 : i32
    %add3A_25 = arith.constant 1 : i32
    %add3A_26 = arith.addi %mul3A_24, %add3A_25 : i32
    %mul3A_27 = arith.constant 10240 : i32
    %mul3A_28 = arith.muli %add3A_26, %mul3A_27 : i32
    "tpu.region"() ({
      %run_scoped3A = tpu.sem_alloc : memref<!tpu.dma_semaphore, #tpu.memory_space<semaphore_mem>>
      %dma_start3A = tpu.memref_slice %arg11[%mul3A_28] : memref<327680xf32, #tpu.memory_space<vmem_shared>> -> memref<10240xf32, #tpu.memory_space<vmem_shared>>
      %dma_start3A_71 = tpu.memref_slice %arg11[%mul3A_28] : memref<327680xf32, #tpu.memory_space<vmem_shared>> -> memref<10240xf32, #tpu.memory_space<vmem_shared>>
      tpu.enqueue_dma source(%arg8 : memref<10240xf32, #tpu.memory_space<vmem>>) target(%dma_start3A_71 : memref<10240xf32, #tpu.memory_space<vmem_shared>>) target_semaphore(%run_scoped3A : memref<!tpu.dma_semaphore, #tpu.memory_space<semaphore_mem>>)
      %dma_wait3A = tpu.memref_slice %arg11[%mul3A_28] : memref<327680xf32, #tpu.memory_space<vmem_shared>> -> memref<10240xf32, #tpu.memory_space<vmem_shared>>
      %dma_wait3A_72 = tpu.memref_slice %arg11[%mul3A_28] : memref<327680xf32, #tpu.memory_space<vmem_shared>> -> memref<10240xf32, #tpu.memory_space<vmem_shared>>
      tpu.wait_dma2 semaphore(%run_scoped3A : memref<!tpu.dma_semaphore, #tpu.memory_space<semaphore_mem>>) src(%arg8 : memref<10240xf32, #tpu.memory_space<vmem>>) dst(%dma_wait3A_72 : memref<10240xf32, #tpu.memory_space<vmem_shared>>)
      tpu.yield
    }) : () -> ()
    %barrier3A = arith.constant 0 : index
    tpu.barrier barrier_id(%barrier3A)
    %scan3A_29 = arith.constant 0 : i32
    %scan3A_30 = arith.constant 0 : i32
    %scan3A_31 = arith.constant 40 : i32
    %scan3A_32 = arith.addi %scan3A_30, %scan3A_31 : i32
    %scan3A_33 = arith.constant 1 : i32
    scf.for %scan3A_71 = %scan3A_30 to %scan3A_32 step %scan3A_33  : i32 {
      %mul3A_72 = arith.constant 16 : i32
      %mul3A_73 = arith.muli %scan3A_71, %mul3A_72 : i32
      %swap3A = arith.index_cast %mul3A_73 : i32 to index
      %swap3A_74 = tpu.vector_load %arg10[%swap3A] {strides = array<i32>} : memref<640xf32, #tpu.memory_space<vmem>>, vector<16xf32>,
      tpu.vector_store %arg10[%swap3A], %broadcast_in_dim3A_1 {strides = array<i32>} : memref<640xf32, #tpu.memory_space<vmem>>, vector<16xf32>,
    }
    %scan3A_34 = arith.constant 40 : i32
    %scan3A_35 = arith.constant 0 : i32
    %scan3A_36 = arith.constant 0 : i32
    %scan3A_37 = arith.constant 16 : i32
    %scan3A_38 = arith.addi %scan3A_36, %scan3A_37 : i32
    %scan3A_39 = arith.constant 1 : i32
    scf.for %scan3A_71 = %scan3A_36 to %scan3A_38 step %scan3A_39  : i32 {
      %mul3A_72 = arith.constant 2 : i32
      %mul3A_73 = arith.muli %mul3A_72, %scan3A_71 : i32
      %add3A_74 = arith.constant 0 : i32
      %add3A_75 = arith.addi %mul3A_73, %add3A_74 : i32
      %mul3A_76 = arith.constant 10240 : i32
      %mul3A_77 = arith.muli %add3A_75, %mul3A_76 : i32
      %mul3A_78 = arith.constant 640 : i32
      %mul3A_79 = arith.muli %arg1, %mul3A_78 : i32
      %add3A_80 = arith.addi %mul3A_77, %mul3A_79 : i32
      "tpu.region"() ({
        %run_scoped3A = tpu.sem_alloc : memref<!tpu.dma_semaphore, #tpu.memory_space<semaphore_mem>>
        %dma_start3A = tpu.memref_slice %arg11[%add3A_80] : memref<327680xf32, #tpu.memory_space<vmem_shared>> -> memref<640xf32, #tpu.memory_space<vmem_shared>>
        %dma_start3A_87 = tpu.memref_slice %arg11[%add3A_80] : memref<327680xf32, #tpu.memory_space<vmem_shared>> -> memref<640xf32, #tpu.memory_space<vmem_shared>>
        tpu.enqueue_dma source(%dma_start3A_87 : memref<640xf32, #tpu.memory_space<vmem_shared>>) target(%arg9 : memref<640xf32, #tpu.memory_space<vmem>>) target_semaphore(%run_scoped3A : memref<!tpu.dma_semaphore, #tpu.memory_space<semaphore_mem>>)
        %dma_wait3A = tpu.memref_slice %arg11[%add3A_80] : memref<327680xf32, #tpu.memory_space<vmem_shared>> -> memref<640xf32, #tpu.memory_space<vmem_shared>>
        %dma_wait3A_88 = tpu.memref_slice %arg11[%add3A_80] : memref<327680xf32, #tpu.memory_space<vmem_shared>> -> memref<640xf32, #tpu.memory_space<vmem_shared>>
        tpu.wait_dma2 semaphore(%run_scoped3A : memref<!tpu.dma_semaphore, #tpu.memory_space<semaphore_mem>>) src(%dma_wait3A_88 : memref<640xf32, #tpu.memory_space<vmem_shared>>) dst(%arg9 : memref<640xf32, #tpu.memory_space<vmem>>)
        tpu.yield
      }) : () -> ()
      %scan3A_81 = arith.constant 0 : i32
      %scan3A_82 = arith.constant 0 : i32
      %scan3A_83 = arith.constant 40 : i32
      %scan3A_84 = arith.addi %scan3A_82, %scan3A_83 : i32
      %scan3A_85 = arith.constant 1 : i32
      scf.for %scan3A_87 = %scan3A_82 to %scan3A_84 step %scan3A_85  : i32 {
        %mul3A_88 = arith.constant 16 : i32
        %mul3A_89 = arith.muli %scan3A_87, %mul3A_88 : i32
        %get3A = arith.index_cast %mul3A_89 : i32 to index
        %get3A_90 = tpu.vector_load %arg10[%get3A] {strides = array<i32>} : memref<640xf32, #tpu.memory_space<vmem>>, vector<16xf32>,
        %mul3A_91 = arith.constant 16 : i32
        %mul3A_92 = arith.muli %scan3A_87, %mul3A_91 : i32
        %get3A_93 = arith.index_cast %mul3A_92 : i32 to index
        %get3A_94 = tpu.vector_load %arg9[%get3A_93] {strides = array<i32>} : memref<640xf32, #tpu.memory_space<vmem>>, vector<16xf32>,
        %add3A_95 = arith.addf %get3A_90, %get3A_94 : vector<16xf32>
        %mul3A_96 = arith.constant 16 : i32
        %mul3A_97 = arith.muli %scan3A_87, %mul3A_96 : i32
        %swap3A = arith.index_cast %mul3A_97 : i32 to index
        %swap3A_98 = tpu.vector_load %arg10[%swap3A] {strides = array<i32>} : memref<640xf32, #tpu.memory_space<vmem>>, vector<16xf32>,
        tpu.vector_store %arg10[%swap3A], %add3A_95 {strides = array<i32>} : memref<640xf32, #tpu.memory_space<vmem>>, vector<16xf32>,
      }
      %scan3A_86 = arith.constant 40 : i32
    }
    %scan3A_40 = arith.constant 16 : i32
    %mul3A_41 = arith.constant 2 : i32
    %mul3A_42 = arith.muli %arg0, %mul3A_41 : i32
    %mul3A_43 = arith.constant 10240 : i32
    %mul3A_44 = arith.muli %mul3A_42, %mul3A_43 : i32
    %add3A_45 = arith.constant 0 : i32
    %add3A_46 = arith.addi %mul3A_44, %add3A_45 : i32
    %mul3A_47 = arith.constant 640 : i32
    %mul3A_48 = arith.muli %arg1, %mul3A_47 : i32
    %add3A_49 = arith.addi %add3A_46, %mul3A_48 : i32
    "tpu.region"() ({
      %run_scoped3A = tpu.sem_alloc : memref<!tpu.dma_semaphore, #tpu.memory_space<semaphore_mem>>
      %dma_start3A = tpu.memref_slice %arg4[%add3A_49] : memref<40960xf32, #tpu.memory_space<hbm>> -> memref<640xf32, #tpu.memory_space<hbm>>
      %dma_start3A_71 = tpu.memref_slice %arg4[%add3A_49] : memref<40960xf32, #tpu.memory_space<hbm>> -> memref<640xf32, #tpu.memory_space<hbm>>
      tpu.enqueue_dma source(%arg10 : memref<640xf32, #tpu.memory_space<vmem>>) target(%dma_start3A_71 : memref<640xf32, #tpu.memory_space<hbm>>) target_semaphore(%run_scoped3A : memref<!tpu.dma_semaphore, #tpu.memory_space<semaphore_mem>>)
      %dma_wait3A = tpu.memref_slice %arg4[%add3A_49] : memref<40960xf32, #tpu.memory_space<hbm>> -> memref<640xf32, #tpu.memory_space<hbm>>
      %dma_wait3A_72 = tpu.memref_slice %arg4[%add3A_49] : memref<40960xf32, #tpu.memory_space<hbm>> -> memref<640xf32, #tpu.memory_space<hbm>>
      tpu.wait_dma2 semaphore(%run_scoped3A : memref<!tpu.dma_semaphore, #tpu.memory_space<semaphore_mem>>) src(%arg10 : memref<640xf32, #tpu.memory_space<vmem>>) dst(%dma_wait3A_72 : memref<640xf32, #tpu.memory_space<hbm>>)
      tpu.yield
    }) : () -> ()
    %scan3A_50 = arith.constant 0 : i32
    %scan3A_51 = arith.constant 0 : i32
    %scan3A_52 = arith.constant 40 : i32
    %scan3A_53 = arith.addi %scan3A_51, %scan3A_52 : i32
    %scan3A_54 = arith.constant 1 : i32
    scf.for %scan3A_71 = %scan3A_51 to %scan3A_53 step %scan3A_54  : i32 {
      %mul3A_72 = arith.constant 16 : i32
      %mul3A_73 = arith.muli %scan3A_71, %mul3A_72 : i32
      %swap3A = arith.index_cast %mul3A_73 : i32 to index
      %swap3A_74 = tpu.vector_load %arg10[%swap3A] {strides = array<i32>} : memref<640xf32, #tpu.memory_space<vmem>>, vector<16xf32>,
      tpu.vector_store %arg10[%swap3A], %broadcast_in_dim3A_1 {strides = array<i32>} : memref<640xf32, #tpu.memory_space<vmem>>, vector<16xf32>,
    }
    %scan3A_55 = arith.constant 40 : i32
    %scan3A_56 = arith.constant 0 : i32
    %scan3A_57 = arith.constant 0 : i32
    %scan3A_58 = arith.constant 16 : i32
    %scan3A_59 = arith.addi %scan3A_57, %scan3A_58 : i32
    %scan3A_60 = arith.constant 1 : i32
    scf.for %scan3A_71 = %scan3A_57 to %scan3A_59 step %scan3A_60  : i32 {
      %mul3A_72 = arith.constant 2 : i32
      %mul3A_73 = arith.muli %mul3A_72, %scan3A_71 : i32
      %add3A_74 = arith.constant 1 : i32
      %add3A_75 = arith.addi %mul3A_73, %add3A_74 : i32
      %mul3A_76 = arith.constant 10240 : i32
      %mul3A_77 = arith.muli %add3A_75, %mul3A_76 : i32
      %mul3A_78 = arith.constant 640 : i32
      %mul3A_79 = arith.muli %arg1, %mul3A_78 : i32
      %add3A_80 = arith.addi %mul3A_77, %mul3A_79 : i32
      "tpu.region"() ({
        %run_scoped3A = tpu.sem_alloc : memref<!tpu.dma_semaphore, #tpu.memory_space<semaphore_mem>>
        %dma_start3A = tpu.memref_slice %arg11[%add3A_80] : memref<327680xf32, #tpu.memory_space<vmem_shared>> -> memref<640xf32, #tpu.memory_space<vmem_shared>>
        %dma_start3A_87 = tpu.memref_slice %arg11[%add3A_80] : memref<327680xf32, #tpu.memory_space<vmem_shared>> -> memref<640xf32, #tpu.memory_space<vmem_shared>>
        tpu.enqueue_dma source(%dma_start3A_87 : memref<640xf32, #tpu.memory_space<vmem_shared>>) target(%arg9 : memref<640xf32, #tpu.memory_space<vmem>>) target_semaphore(%run_scoped3A : memref<!tpu.dma_semaphore, #tpu.memory_space<semaphore_mem>>)
        %dma_wait3A = tpu.memref_slice %arg11[%add3A_80] : memref<327680xf32, #tpu.memory_space<vmem_shared>> -> memref<640xf32, #tpu.memory_space<vmem_shared>>
        %dma_wait3A_88 = tpu.memref_slice %arg11[%add3A_80] : memref<327680xf32, #tpu.memory_space<vmem_shared>> -> memref<640xf32, #tpu.memory_space<vmem_shared>>
        tpu.wait_dma2 semaphore(%run_scoped3A : memref<!tpu.dma_semaphore, #tpu.memory_space<semaphore_mem>>) src(%dma_wait3A_88 : memref<640xf32, #tpu.memory_space<vmem_shared>>) dst(%arg9 : memref<640xf32, #tpu.memory_space<vmem>>)
        tpu.yield
      }) : () -> ()
      %scan3A_81 = arith.constant 0 : i32
      %scan3A_82 = arith.constant 0 : i32
      %scan3A_83 = arith.constant 40 : i32
      %scan3A_84 = arith.addi %scan3A_82, %scan3A_83 : i32
      %scan3A_85 = arith.constant 1 : i32
      scf.for %scan3A_87 = %scan3A_82 to %scan3A_84 step %scan3A_85  : i32 {
        %mul3A_88 = arith.constant 16 : i32
        %mul3A_89 = arith.muli %scan3A_87, %mul3A_88 : i32
        %get3A = arith.index_cast %mul3A_89 : i32 to index
        %get3A_90 = tpu.vector_load %arg10[%get3A] {strides = array<i32>} : memref<640xf32, #tpu.memory_space<vmem>>, vector<16xf32>,
        %mul3A_91 = arith.constant 16 : i32
        %mul3A_92 = arith.muli %scan3A_87, %mul3A_91 : i32
        %get3A_93 = arith.index_cast %mul3A_92 : i32 to index
        %get3A_94 = tpu.vector_load %arg9[%get3A_93] {strides = array<i32>} : memref<640xf32, #tpu.memory_space<vmem>>, vector<16xf32>,
        %add3A_95 = arith.addf %get3A_90, %get3A_94 : vector<16xf32>
        %mul3A_96 = arith.constant 16 : i32
        %mul3A_97 = arith.muli %scan3A_87, %mul3A_96 : i32
        %swap3A = arith.index_cast %mul3A_97 : i32 to index
        %swap3A_98 = tpu.vector_load %arg10[%swap3A] {strides = array<i32>} : memref<640xf32, #tpu.memory_space<vmem>>, vector<16xf32>,
        tpu.vector_store %arg10[%swap3A], %add3A_95 {strides = array<i32>} : memref<640xf32, #tpu.memory_space<vmem>>, vector<16xf32>,
      }
      %scan3A_86 = arith.constant 40 : i32
    }
    %scan3A_61 = arith.constant 16 : i32
    %mul3A_62 = arith.constant 2 : i32
    %mul3A_63 = arith.muli %arg0, %mul3A_62 : i32
    %mul3A_64 = arith.constant 10240 : i32
    %mul3A_65 = arith.muli %mul3A_63, %mul3A_64 : i32
    %add3A_66 = arith.constant 10240 : i32
    %add3A_67 = arith.addi %mul3A_65, %add3A_66 : i32
    %mul3A_68 = arith.constant 640 : i32
    %mul3A_69 = arith.muli %arg1, %mul3A_68 : i32
    %add3A_70 = arith.addi %add3A_67, %mul3A_69 : i32
    "tpu.region"() ({
      %run_scoped3A = tpu.sem_alloc : memref<!tpu.dma_semaphore, #tpu.memory_space<semaphore_mem>>
      %dma_start3A = tpu.memref_slice %arg4[%add3A_70] : memref<40960xf32, #tpu.memory_space<hbm>> -> memref<640xf32, #tpu.memory_space<hbm>>
      %dma_start3A_71 = tpu.memref_slice %arg4[%add3A_70] : memref<40960xf32, #tpu.memory_space<hbm>> -> memref<640xf32, #tpu.memory_space<hbm>>
      tpu.enqueue_dma source(%arg10 : memref<640xf32, #tpu.memory_space<vmem>>) target(%dma_start3A_71 : memref<640xf32, #tpu.memory_space<hbm>>) target_semaphore(%run_scoped3A : memref<!tpu.dma_semaphore, #tpu.memory_space<semaphore_mem>>)
      %dma_wait3A = tpu.memref_slice %arg4[%add3A_70] : memref<40960xf32, #tpu.memory_space<hbm>> -> memref<640xf32, #tpu.memory_space<hbm>>
      %dma_wait3A_72 = tpu.memref_slice %arg4[%add3A_70] : memref<40960xf32, #tpu.memory_space<hbm>> -> memref<640xf32, #tpu.memory_space<hbm>>
      tpu.wait_dma2 semaphore(%run_scoped3A : memref<!tpu.dma_semaphore, #tpu.memory_space<semaphore_mem>>) src(%arg10 : memref<640xf32, #tpu.memory_space<vmem>>) dst(%dma_wait3A_72 : memref<640xf32, #tpu.memory_space<hbm>>)
      tpu.yield
    }) : () -> ()
    return
  }
}

#map = affine_map<(d0, d1) -> (0, 0)>
#map1 = affine_map<(d0, d1) -> (0)>
#map2 = affine_map<(d0, d1) -> (0, 0, 0)>
module attributes {stable_mosaic.version = 14 : i64} {
  func.func @agg(%arg0: i32, %arg1: i32, %arg2: memref<10000x128xf32, #tpu.memory_space<hbm>>, %arg3: memref<320000xi32, #tpu.memory_space<hbm>>, %arg4: memref<32x125x80xi32, #tpu.memory_space<hbm>>, %arg5: memref<10240x128xf32, #tpu.memory_space<hbm>>, %arg6: memref<2x10240x128xf32, #tpu.memory_space<hbm>>, %arg7: memref<10000xi32, #tpu.memory_space<vmem>>, %arg8: memref<125x80xi32, #tpu.memory_space<vmem>>, %arg9: memref<2x80x128xf32, #tpu.memory_space<vmem>>, %arg10: memref<10240x128xf32, #tpu.memory_space<vmem_shared>>, %arg11: memref<!tpu.dma_semaphore, #tpu.memory_space<semaphore_mem>>, %arg12: memref<!tpu.dma_semaphore, #tpu.memory_space<semaphore_mem>>) attributes {dimension_semantics = [#tpu.dimension_semantics<core_parallel>, #tpu.dimension_semantics<subcore_parallel>], iteration_bounds = array<i64: 2, 16>, scalar_prefetch = 0 : i64, scratch_operands = 6 : i64, tpu.core_type = #tpu.core_type<sc_vector_subcore>, window_params = [{transform_indices = #map}, {transform_indices = #map1}, {transform_indices = #map2}, {transform_indices = #map}, {transform_indices = #map2}]} {
    %mul3A = arith.constant 16 : i32
    %mul3A_0 = arith.muli %arg0, %mul3A : i32
    %add3A = arith.addi %mul3A_0, %arg1 : i32
    %mul3A_1 = arith.constant 10000 : i32
    %mul3A_2 = arith.muli %add3A, %mul3A_1 : i32
    %dma_start3A = tpu.memref_slice %arg3[%mul3A_2] : memref<320000xi32, #tpu.memory_space<hbm>> -> memref<10000xi32, #tpu.memory_space<hbm>>
    %dma_start3A_3 = tpu.memref_slice %arg3[%mul3A_2] : memref<320000xi32, #tpu.memory_space<hbm>> -> memref<10000xi32, #tpu.memory_space<hbm>>
    tpu.enqueue_dma source(%dma_start3A_3 : memref<10000xi32, #tpu.memory_space<hbm>>) target(%arg7 : memref<10000xi32, #tpu.memory_space<vmem>>) target_semaphore(%arg11 : memref<!tpu.dma_semaphore, #tpu.memory_space<semaphore_mem>>)
    %dma_start3A_4 = arith.constant 0 : i32
    %dma_start3A_5 = arith.constant 0 : i32
    %dma_start3A_6 = tpu.memref_slice %arg4[%add3A, %dma_start3A_4, %dma_start3A_5] : memref<32x125x80xi32, #tpu.memory_space<hbm>> -> memref<1x125x80xi32, #tpu.memory_space<hbm>>
    %dma_start3A_7 = tpu.memref_squeeze %dma_start3A_6 : memref<1x125x80xi32, #tpu.memory_space<hbm>> -> memref<125x80xi32, #tpu.memory_space<hbm>>
    %dma_start3A_8 = arith.constant 0 : i32
    %dma_start3A_9 = arith.constant 0 : i32
    %dma_start3A_10 = tpu.memref_slice %arg4[%add3A, %dma_start3A_8, %dma_start3A_9] : memref<32x125x80xi32, #tpu.memory_space<hbm>> -> memref<1x125x80xi32, #tpu.memory_space<hbm>>
    %dma_start3A_11 = tpu.memref_squeeze %dma_start3A_10 : memref<1x125x80xi32, #tpu.memory_space<hbm>> -> memref<125x80xi32, #tpu.memory_space<hbm>>
    tpu.enqueue_dma source(%dma_start3A_11 : memref<125x80xi32, #tpu.memory_space<hbm>>) target(%arg8 : memref<125x80xi32, #tpu.memory_space<vmem>>) target_semaphore(%arg11 : memref<!tpu.dma_semaphore, #tpu.memory_space<semaphore_mem>>)
    %mul3A_12 = arith.constant 640 : i32
    %mul3A_13 = arith.muli %arg1, %mul3A_12 : i32
    %mul3A_14 = arith.constant 640 : i32
    %mul3A_15 = arith.muli %arg1, %mul3A_14 : i32
    %dma_start3A_16 = arith.constant 0 : i32
    %dma_start3A_17 = tpu.memref_slice %arg10[%mul3A_15, %dma_start3A_16] : memref<10240x128xf32, #tpu.memory_space<vmem_shared>> -> memref<640x128xf32, #tpu.memory_space<vmem_shared>>
    %dma_start3A_18 = arith.constant 0 : i32
    %dma_start3A_19 = tpu.memref_slice %arg5[%mul3A_13, %dma_start3A_18] : memref<10240x128xf32, #tpu.memory_space<hbm>> -> memref<640x128xf32, #tpu.memory_space<hbm>>
    tpu.enqueue_dma source(%dma_start3A_19 : memref<640x128xf32, #tpu.memory_space<hbm>>) target(%dma_start3A_17 : memref<640x128xf32, #tpu.memory_space<vmem_shared>>) target_semaphore(%arg12 : memref<!tpu.dma_semaphore, #tpu.memory_space<semaphore_mem>>)
    %mul3A_20 = arith.constant 10000 : i32
    %mul3A_21 = arith.muli %add3A, %mul3A_20 : i32
    %dma_wait3A = tpu.memref_slice %arg3[%mul3A_21] : memref<320000xi32, #tpu.memory_space<hbm>> -> memref<10000xi32, #tpu.memory_space<hbm>>
    %dma_wait3A_22 = tpu.memref_slice %arg3[%mul3A_21] : memref<320000xi32, #tpu.memory_space<hbm>> -> memref<10000xi32, #tpu.memory_space<hbm>>
    tpu.wait_dma2 semaphore(%arg11 : memref<!tpu.dma_semaphore, #tpu.memory_space<semaphore_mem>>) src(%dma_wait3A_22 : memref<10000xi32, #tpu.memory_space<hbm>>) dst(%arg7 : memref<10000xi32, #tpu.memory_space<vmem>>)
    %dma_wait3A_23 = arith.constant 0 : i32
    %dma_wait3A_24 = arith.constant 0 : i32
    %dma_wait3A_25 = tpu.memref_slice %arg4[%add3A, %dma_wait3A_23, %dma_wait3A_24] : memref<32x125x80xi32, #tpu.memory_space<hbm>> -> memref<1x125x80xi32, #tpu.memory_space<hbm>>
    %dma_wait3A_26 = tpu.memref_squeeze %dma_wait3A_25 : memref<1x125x80xi32, #tpu.memory_space<hbm>> -> memref<125x80xi32, #tpu.memory_space<hbm>>
    %dma_wait3A_27 = arith.constant 0 : i32
    %dma_wait3A_28 = arith.constant 0 : i32
    %dma_wait3A_29 = tpu.memref_slice %arg4[%add3A, %dma_wait3A_27, %dma_wait3A_28] : memref<32x125x80xi32, #tpu.memory_space<hbm>> -> memref<1x125x80xi32, #tpu.memory_space<hbm>>
    %dma_wait3A_30 = tpu.memref_squeeze %dma_wait3A_29 : memref<1x125x80xi32, #tpu.memory_space<hbm>> -> memref<125x80xi32, #tpu.memory_space<hbm>>
    tpu.wait_dma2 semaphore(%arg11 : memref<!tpu.dma_semaphore, #tpu.memory_space<semaphore_mem>>) src(%dma_wait3A_30 : memref<125x80xi32, #tpu.memory_space<hbm>>) dst(%arg8 : memref<125x80xi32, #tpu.memory_space<vmem>>)
    %mul3A_31 = arith.constant 640 : i32
    %mul3A_32 = arith.muli %arg1, %mul3A_31 : i32
    %mul3A_33 = arith.constant 640 : i32
    %mul3A_34 = arith.muli %arg1, %mul3A_33 : i32
    %dma_wait3A_35 = arith.constant 0 : i32
    %dma_wait3A_36 = tpu.memref_slice %arg10[%mul3A_34, %dma_wait3A_35] : memref<10240x128xf32, #tpu.memory_space<vmem_shared>> -> memref<640x128xf32, #tpu.memory_space<vmem_shared>>
    %dma_wait3A_37 = arith.constant 0 : i32
    %dma_wait3A_38 = tpu.memref_slice %arg5[%mul3A_32, %dma_wait3A_37] : memref<10240x128xf32, #tpu.memory_space<hbm>> -> memref<640x128xf32, #tpu.memory_space<hbm>>
    tpu.wait_dma2 semaphore(%arg12 : memref<!tpu.dma_semaphore, #tpu.memory_space<semaphore_mem>>) src(%dma_wait3A_38 : memref<640x128xf32, #tpu.memory_space<hbm>>) dst(%dma_wait3A_36 : memref<640x128xf32, #tpu.memory_space<vmem_shared>>)
    %barrier3A = arith.constant 0 : index
    tpu.barrier barrier_id(%barrier3A)
    %dma_start3A_39 = arith.constant 0 : i32
    %dma_start3A_40 = arith.constant 0 : i32
    %dma_start3A_41 = arith.constant 0 : i32
    %dma_start3A_42 = tpu.memref_slice %arg9[%dma_start3A_39, %dma_start3A_40, %dma_start3A_41] : memref<2x80x128xf32, #tpu.memory_space<vmem>> -> memref<1x80x128xf32, #tpu.memory_space<vmem>>
    %dma_start3A_43 = tpu.memref_squeeze %dma_start3A_42 : memref<1x80x128xf32, #tpu.memory_space<vmem>> -> memref<80x128xf32, #tpu.memory_space<vmem>>
    %dma_start3A_44 = arith.constant 0 : i32
    %dma_start3A_45 = tpu.memref_slice %arg7[%dma_start3A_44] : memref<10000xi32, #tpu.memory_space<vmem>> -> memref<80xi32, #tpu.memory_space<vmem>>
    %dma_start3A_46 = arith.constant 0 : i32
    %dma_start3A_47 = arith.constant 0 : i32
    %dma_start3A_48 = tpu.memref_slice %arg2[%dma_start3A_46, %dma_start3A_47] : memref<10000x128xf32, #tpu.memory_space<hbm>> -> memref<10000x128xf32, #tpu.memory_space<hbm>>
    tpu.enqueue_indirect_dma source(%dma_start3A_48 : memref<10000x128xf32, #tpu.memory_space<hbm>>) target(%dma_start3A_43 : memref<80x128xf32, #tpu.memory_space<vmem>>) offsets(%dma_start3A_45 : memref<80xi32, #tpu.memory_space<vmem>>) semaphore(%arg11 : memref<!tpu.dma_semaphore, #tpu.memory_space<semaphore_mem>>)
    %dma_wait3A_49 = arith.constant 0 : i32
    %dma_wait3A_50 = arith.constant 0 : i32
    %dma_wait3A_51 = arith.constant 0 : i32
    %dma_wait3A_52 = tpu.memref_slice %arg9[%dma_wait3A_49, %dma_wait3A_50, %dma_wait3A_51] : memref<2x80x128xf32, #tpu.memory_space<vmem>> -> memref<1x80x128xf32, #tpu.memory_space<vmem>>
    %dma_wait3A_53 = tpu.memref_squeeze %dma_wait3A_52 : memref<1x80x128xf32, #tpu.memory_space<vmem>> -> memref<80x128xf32, #tpu.memory_space<vmem>>
    %dma_wait3A_54 = arith.constant 0 : i32
    %dma_wait3A_55 = tpu.memref_slice %arg7[%dma_wait3A_54] : memref<10000xi32, #tpu.memory_space<vmem>> -> memref<80xi32, #tpu.memory_space<vmem>>
    %dma_wait3A_56 = arith.constant 0 : i32
    %dma_wait3A_57 = arith.constant 0 : i32
    %dma_wait3A_58 = tpu.memref_slice %arg2[%dma_wait3A_56, %dma_wait3A_57] : memref<10000x128xf32, #tpu.memory_space<hbm>> -> memref<10000x128xf32, #tpu.memory_space<hbm>>
    tpu.wait_indirect_dma semaphore(%arg11 : memref<!tpu.dma_semaphore, #tpu.memory_space<semaphore_mem>>) src(%dma_wait3A_58 : memref<10000x128xf32, #tpu.memory_space<hbm>>) dst(%dma_wait3A_53 : memref<80x128xf32, #tpu.memory_space<vmem>>)
    %dma_start3A_59 = arith.constant 0 : i32
    %dma_start3A_60 = arith.constant 0 : i32
    %dma_start3A_61 = arith.constant 0 : i32
    %dma_start3A_62 = arith.constant 0 : i32
    %dma_start3A_63 = tpu.memref_slice %arg9[%dma_start3A_59, %dma_start3A_61, %dma_start3A_62] : memref<2x80x128xf32, #tpu.memory_space<vmem>> -> memref<1x80x128xf32, #tpu.memory_space<vmem>>
    %dma_start3A_64 = tpu.memref_squeeze %dma_start3A_63 : memref<1x80x128xf32, #tpu.memory_space<vmem>> -> memref<80x128xf32, #tpu.memory_space<vmem>>
    %dma_start3A_65 = arith.constant 0 : i32
    %dma_start3A_66 = tpu.memref_slice %arg8[%dma_start3A_60, %dma_start3A_65] : memref<125x80xi32, #tpu.memory_space<vmem>> -> memref<1x80xi32, #tpu.memory_space<vmem>>
    %dma_start3A_67 = tpu.memref_squeeze %dma_start3A_66 : memref<1x80xi32, #tpu.memory_space<vmem>> -> memref<80xi32, #tpu.memory_space<vmem>>
    %dma_start3A_68 = arith.constant 0 : i32
    %dma_start3A_69 = arith.constant 0 : i32
    %dma_start3A_70 = tpu.memref_slice %arg10[%dma_start3A_68, %dma_start3A_69] : memref<10240x128xf32, #tpu.memory_space<vmem_shared>> -> memref<10240x128xf32, #tpu.memory_space<vmem_shared>>
    tpu.enqueue_indirect_dma source(%dma_start3A_64 : memref<80x128xf32, #tpu.memory_space<vmem>>) target(%dma_start3A_70 : memref<10240x128xf32, #tpu.memory_space<vmem_shared>>) offsets(%dma_start3A_67 : memref<80xi32, #tpu.memory_space<vmem>>) semaphore(%arg12 : memref<!tpu.dma_semaphore, #tpu.memory_space<semaphore_mem>>) {add = true}
    %dma_start3A_71 = arith.constant 1 : i32
    %dma_start3A_72 = arith.constant 0 : i32
    %dma_start3A_73 = arith.constant 0 : i32
    %dma_start3A_74 = tpu.memref_slice %arg9[%dma_start3A_71, %dma_start3A_72, %dma_start3A_73] : memref<2x80x128xf32, #tpu.memory_space<vmem>> -> memref<1x80x128xf32, #tpu.memory_space<vmem>>
    %dma_start3A_75 = tpu.memref_squeeze %dma_start3A_74 : memref<1x80x128xf32, #tpu.memory_space<vmem>> -> memref<80x128xf32, #tpu.memory_space<vmem>>
    %dma_start3A_76 = arith.constant 80 : i32
    %dma_start3A_77 = tpu.memref_slice %arg7[%dma_start3A_76] : memref<10000xi32, #tpu.memory_space<vmem>> -> memref<80xi32, #tpu.memory_space<vmem>>
    %dma_start3A_78 = arith.constant 0 : i32
    %dma_start3A_79 = arith.constant 0 : i32
    %dma_start3A_80 = tpu.memref_slice %arg2[%dma_start3A_78, %dma_start3A_79] : memref<10000x128xf32, #tpu.memory_space<hbm>> -> memref<10000x128xf32, #tpu.memory_space<hbm>>
    tpu.enqueue_indirect_dma source(%dma_start3A_80 : memref<10000x128xf32, #tpu.memory_space<hbm>>) target(%dma_start3A_75 : memref<80x128xf32, #tpu.memory_space<vmem>>) offsets(%dma_start3A_77 : memref<80xi32, #tpu.memory_space<vmem>>) semaphore(%arg11 : memref<!tpu.dma_semaphore, #tpu.memory_space<semaphore_mem>>)
    %scan3A = arith.constant 0 : i32
    %scan3A_81 = arith.constant 1 : i32
    %scan3A_82 = arith.constant 123 : i32
    %scan3A_83 = arith.addi %scan3A_81, %scan3A_82 : i32
    %scan3A_84 = arith.constant 1 : i32
    scf.for %scan3A_137 = %scan3A_81 to %scan3A_83 step %scan3A_84  : i32 {
      %rem3A = arith.constant 2 : i32
      %rem3A_138 = arith.remsi %scan3A_137, %rem3A : i32
      %dma_wait3A_139 = arith.constant 0 : i32
      %dma_wait3A_140 = arith.constant 0 : i32
      %dma_wait3A_141 = tpu.memref_slice %arg9[%rem3A_138, %dma_wait3A_139, %dma_wait3A_140] : memref<2x80x128xf32, #tpu.memory_space<vmem>> -> memref<1x80x128xf32, #tpu.memory_space<vmem>>
      %dma_wait3A_142 = tpu.memref_squeeze %dma_wait3A_141 : memref<1x80x128xf32, #tpu.memory_space<vmem>> -> memref<80x128xf32, #tpu.memory_space<vmem>>
      %dma_wait3A_143 = arith.constant 0 : i32
      %dma_wait3A_144 = tpu.memref_slice %arg7[%dma_wait3A_143] : memref<10000xi32, #tpu.memory_space<vmem>> -> memref<80xi32, #tpu.memory_space<vmem>>
      %dma_wait3A_145 = arith.constant 0 : i32
      %dma_wait3A_146 = arith.constant 0 : i32
      %dma_wait3A_147 = tpu.memref_slice %arg2[%dma_wait3A_145, %dma_wait3A_146] : memref<10000x128xf32, #tpu.memory_space<hbm>> -> memref<10000x128xf32, #tpu.memory_space<hbm>>
      tpu.wait_indirect_dma semaphore(%arg11 : memref<!tpu.dma_semaphore, #tpu.memory_space<semaphore_mem>>) src(%dma_wait3A_147 : memref<10000x128xf32, #tpu.memory_space<hbm>>) dst(%dma_wait3A_142 : memref<80x128xf32, #tpu.memory_space<vmem>>)
      %dma_start3A_148 = arith.constant 0 : i32
      %dma_start3A_149 = arith.constant 0 : i32
      %dma_start3A_150 = tpu.memref_slice %arg9[%rem3A_138, %dma_start3A_148, %dma_start3A_149] : memref<2x80x128xf32, #tpu.memory_space<vmem>> -> memref<1x80x128xf32, #tpu.memory_space<vmem>>
      %dma_start3A_151 = tpu.memref_squeeze %dma_start3A_150 : memref<1x80x128xf32, #tpu.memory_space<vmem>> -> memref<80x128xf32, #tpu.memory_space<vmem>>
      %dma_start3A_152 = arith.constant 0 : i32
      %dma_start3A_153 = tpu.memref_slice %arg8[%scan3A_137, %dma_start3A_152] : memref<125x80xi32, #tpu.memory_space<vmem>> -> memref<1x80xi32, #tpu.memory_space<vmem>>
      %dma_start3A_154 = tpu.memref_squeeze %dma_start3A_153 : memref<1x80xi32, #tpu.memory_space<vmem>> -> memref<80xi32, #tpu.memory_space<vmem>>
      %dma_start3A_155 = arith.constant 0 : i32
      %dma_start3A_156 = arith.constant 0 : i32
      %dma_start3A_157 = tpu.memref_slice %arg10[%dma_start3A_155, %dma_start3A_156] : memref<10240x128xf32, #tpu.memory_space<vmem_shared>> -> memref<10240x128xf32, #tpu.memory_space<vmem_shared>>
      tpu.enqueue_indirect_dma source(%dma_start3A_151 : memref<80x128xf32, #tpu.memory_space<vmem>>) target(%dma_start3A_157 : memref<10240x128xf32, #tpu.memory_space<vmem_shared>>) offsets(%dma_start3A_154 : memref<80xi32, #tpu.memory_space<vmem>>) semaphore(%arg12 : memref<!tpu.dma_semaphore, #tpu.memory_space<semaphore_mem>>) {add = true}
      %sub3A = arith.constant 1 : i32
      %sub3A_158 = arith.subi %sub3A, %rem3A_138 : i32
      %dma_wait3A_159 = arith.constant 0 : i32
      %dma_wait3A_160 = arith.constant 0 : i32
      %dma_wait3A_161 = arith.constant 0 : i32
      %dma_wait3A_162 = tpu.memref_slice %arg9[%sub3A_158, %dma_wait3A_160, %dma_wait3A_161] : memref<2x80x128xf32, #tpu.memory_space<vmem>> -> memref<1x80x128xf32, #tpu.memory_space<vmem>>
      %dma_wait3A_163 = tpu.memref_squeeze %dma_wait3A_162 : memref<1x80x128xf32, #tpu.memory_space<vmem>> -> memref<80x128xf32, #tpu.memory_space<vmem>>
      %dma_wait3A_164 = arith.constant 0 : i32
      %dma_wait3A_165 = tpu.memref_slice %arg8[%dma_wait3A_159, %dma_wait3A_164] : memref<125x80xi32, #tpu.memory_space<vmem>> -> memref<1x80xi32, #tpu.memory_space<vmem>>
      %dma_wait3A_166 = tpu.memref_squeeze %dma_wait3A_165 : memref<1x80xi32, #tpu.memory_space<vmem>> -> memref<80xi32, #tpu.memory_space<vmem>>
      %dma_wait3A_167 = arith.constant 0 : i32
      %dma_wait3A_168 = arith.constant 0 : i32
      %dma_wait3A_169 = tpu.memref_slice %arg10[%dma_wait3A_167, %dma_wait3A_168] : memref<10240x128xf32, #tpu.memory_space<vmem_shared>> -> memref<10240x128xf32, #tpu.memory_space<vmem_shared>>
      tpu.wait_indirect_dma semaphore(%arg12 : memref<!tpu.dma_semaphore, #tpu.memory_space<semaphore_mem>>) src(%dma_wait3A_163 : memref<80x128xf32, #tpu.memory_space<vmem>>) dst(%dma_wait3A_169 : memref<10240x128xf32, #tpu.memory_space<vmem_shared>>)
      %add3A_170 = arith.constant 1 : i32
      %add3A_171 = arith.addi %scan3A_137, %add3A_170 : i32
      %sub3A_172 = arith.constant 1 : i32
      %sub3A_173 = arith.subi %sub3A_172, %rem3A_138 : i32
      %mul3A_174 = arith.constant 80 : i32
      %mul3A_175 = arith.muli %add3A_171, %mul3A_174 : i32
      %dma_start3A_176 = arith.constant 0 : i32
      %dma_start3A_177 = arith.constant 0 : i32
      %dma_start3A_178 = tpu.memref_slice %arg9[%sub3A_173, %dma_start3A_176, %dma_start3A_177] : memref<2x80x128xf32, #tpu.memory_space<vmem>> -> memref<1x80x128xf32, #tpu.memory_space<vmem>>
      %dma_start3A_179 = tpu.memref_squeeze %dma_start3A_178 : memref<1x80x128xf32, #tpu.memory_space<vmem>> -> memref<80x128xf32, #tpu.memory_space<vmem>>
      %dma_start3A_180 = tpu.memref_slice %arg7[%mul3A_175] : memref<10000xi32, #tpu.memory_space<vmem>> -> memref<80xi32, #tpu.memory_space<vmem>>
      %dma_start3A_181 = arith.constant 0 : i32
      %dma_start3A_182 = arith.constant 0 : i32
      %dma_start3A_183 = tpu.memref_slice %arg2[%dma_start3A_181, %dma_start3A_182] : memref<10000x128xf32, #tpu.memory_space<hbm>> -> memref<10000x128xf32, #tpu.memory_space<hbm>>
      tpu.enqueue_indirect_dma source(%dma_start3A_183 : memref<10000x128xf32, #tpu.memory_space<hbm>>) target(%dma_start3A_179 : memref<80x128xf32, #tpu.memory_space<vmem>>) offsets(%dma_start3A_180 : memref<80xi32, #tpu.memory_space<vmem>>) semaphore(%arg11 : memref<!tpu.dma_semaphore, #tpu.memory_space<semaphore_mem>>)
    }
    %scan3A_85 = arith.constant 123 : i32
    %dma_wait3A_86 = arith.constant 0 : i32
    %dma_wait3A_87 = arith.constant 0 : i32
    %dma_wait3A_88 = arith.constant 0 : i32
    %dma_wait3A_89 = tpu.memref_slice %arg9[%dma_wait3A_86, %dma_wait3A_87, %dma_wait3A_88] : memref<2x80x128xf32, #tpu.memory_space<vmem>> -> memref<1x80x128xf32, #tpu.memory_space<vmem>>
    %dma_wait3A_90 = tpu.memref_squeeze %dma_wait3A_89 : memref<1x80x128xf32, #tpu.memory_space<vmem>> -> memref<80x128xf32, #tpu.memory_space<vmem>>
    %dma_wait3A_91 = arith.constant 0 : i32
    %dma_wait3A_92 = tpu.memref_slice %arg7[%dma_wait3A_91] : memref<10000xi32, #tpu.memory_space<vmem>> -> memref<80xi32, #tpu.memory_space<vmem>>
    %dma_wait3A_93 = arith.constant 0 : i32
    %dma_wait3A_94 = arith.constant 0 : i32
    %dma_wait3A_95 = tpu.memref_slice %arg2[%dma_wait3A_93, %dma_wait3A_94] : memref<10000x128xf32, #tpu.memory_space<hbm>> -> memref<10000x128xf32, #tpu.memory_space<hbm>>
    tpu.wait_indirect_dma semaphore(%arg11 : memref<!tpu.dma_semaphore, #tpu.memory_space<semaphore_mem>>) src(%dma_wait3A_95 : memref<10000x128xf32, #tpu.memory_space<hbm>>) dst(%dma_wait3A_90 : memref<80x128xf32, #tpu.memory_space<vmem>>)
    %dma_start3A_96 = arith.constant 0 : i32
    %dma_start3A_97 = arith.constant 124 : i32
    %dma_start3A_98 = arith.constant 0 : i32
    %dma_start3A_99 = arith.constant 0 : i32
    %dma_start3A_100 = tpu.memref_slice %arg9[%dma_start3A_96, %dma_start3A_98, %dma_start3A_99] : memref<2x80x128xf32, #tpu.memory_space<vmem>> -> memref<1x80x128xf32, #tpu.memory_space<vmem>>
    %dma_start3A_101 = tpu.memref_squeeze %dma_start3A_100 : memref<1x80x128xf32, #tpu.memory_space<vmem>> -> memref<80x128xf32, #tpu.memory_space<vmem>>
    %dma_start3A_102 = arith.constant 0 : i32
    %dma_start3A_103 = tpu.memref_slice %arg8[%dma_start3A_97, %dma_start3A_102] : memref<125x80xi32, #tpu.memory_space<vmem>> -> memref<1x80xi32, #tpu.memory_space<vmem>>
    %dma_start3A_104 = tpu.memref_squeeze %dma_start3A_103 : memref<1x80xi32, #tpu.memory_space<vmem>> -> memref<80xi32, #tpu.memory_space<vmem>>
    %dma_start3A_105 = arith.constant 0 : i32
    %dma_start3A_106 = arith.constant 0 : i32
    %dma_start3A_107 = tpu.memref_slice %arg10[%dma_start3A_105, %dma_start3A_106] : memref<10240x128xf32, #tpu.memory_space<vmem_shared>> -> memref<10240x128xf32, #tpu.memory_space<vmem_shared>>
    tpu.enqueue_indirect_dma source(%dma_start3A_101 : memref<80x128xf32, #tpu.memory_space<vmem>>) target(%dma_start3A_107 : memref<10240x128xf32, #tpu.memory_space<vmem_shared>>) offsets(%dma_start3A_104 : memref<80xi32, #tpu.memory_space<vmem>>) semaphore(%arg12 : memref<!tpu.dma_semaphore, #tpu.memory_space<semaphore_mem>>) {add = true}
    %dma_wait3A_108 = arith.constant 0 : i32
    %dma_wait3A_109 = arith.constant 0 : i32
    %dma_wait3A_110 = arith.constant 0 : i32
    %dma_wait3A_111 = arith.constant 0 : i32
    %dma_wait3A_112 = tpu.memref_slice %arg9[%dma_wait3A_108, %dma_wait3A_110, %dma_wait3A_111] : memref<2x80x128xf32, #tpu.memory_space<vmem>> -> memref<1x80x128xf32, #tpu.memory_space<vmem>>
    %dma_wait3A_113 = tpu.memref_squeeze %dma_wait3A_112 : memref<1x80x128xf32, #tpu.memory_space<vmem>> -> memref<80x128xf32, #tpu.memory_space<vmem>>
    %dma_wait3A_114 = arith.constant 0 : i32
    %dma_wait3A_115 = tpu.memref_slice %arg8[%dma_wait3A_109, %dma_wait3A_114] : memref<125x80xi32, #tpu.memory_space<vmem>> -> memref<1x80xi32, #tpu.memory_space<vmem>>
    %dma_wait3A_116 = tpu.memref_squeeze %dma_wait3A_115 : memref<1x80xi32, #tpu.memory_space<vmem>> -> memref<80xi32, #tpu.memory_space<vmem>>
    %dma_wait3A_117 = arith.constant 0 : i32
    %dma_wait3A_118 = arith.constant 0 : i32
    %dma_wait3A_119 = tpu.memref_slice %arg10[%dma_wait3A_117, %dma_wait3A_118] : memref<10240x128xf32, #tpu.memory_space<vmem_shared>> -> memref<10240x128xf32, #tpu.memory_space<vmem_shared>>
    tpu.wait_indirect_dma semaphore(%arg12 : memref<!tpu.dma_semaphore, #tpu.memory_space<semaphore_mem>>) src(%dma_wait3A_113 : memref<80x128xf32, #tpu.memory_space<vmem>>) dst(%dma_wait3A_119 : memref<10240x128xf32, #tpu.memory_space<vmem_shared>>)
    %dma_wait3A_120 = arith.constant 1 : i32
    %dma_wait3A_121 = arith.constant 0 : i32
    %dma_wait3A_122 = arith.constant 0 : i32
    %dma_wait3A_123 = arith.constant 0 : i32
    %dma_wait3A_124 = tpu.memref_slice %arg9[%dma_wait3A_120, %dma_wait3A_122, %dma_wait3A_123] : memref<2x80x128xf32, #tpu.memory_space<vmem>> -> memref<1x80x128xf32, #tpu.memory_space<vmem>>
    %dma_wait3A_125 = tpu.memref_squeeze %dma_wait3A_124 : memref<1x80x128xf32, #tpu.memory_space<vmem>> -> memref<80x128xf32, #tpu.memory_space<vmem>>
    %dma_wait3A_126 = arith.constant 0 : i32
    %dma_wait3A_127 = tpu.memref_slice %arg8[%dma_wait3A_121, %dma_wait3A_126] : memref<125x80xi32, #tpu.memory_space<vmem>> -> memref<1x80xi32, #tpu.memory_space<vmem>>
    %dma_wait3A_128 = tpu.memref_squeeze %dma_wait3A_127 : memref<1x80xi32, #tpu.memory_space<vmem>> -> memref<80xi32, #tpu.memory_space<vmem>>
    %dma_wait3A_129 = arith.constant 0 : i32
    %dma_wait3A_130 = arith.constant 0 : i32
    %dma_wait3A_131 = tpu.memref_slice %arg10[%dma_wait3A_129, %dma_wait3A_130] : memref<10240x128xf32, #tpu.memory_space<vmem_shared>> -> memref<10240x128xf32, #tpu.memory_space<vmem_shared>>
    tpu.wait_indirect_dma semaphore(%arg12 : memref<!tpu.dma_semaphore, #tpu.memory_space<semaphore_mem>>) src(%dma_wait3A_125 : memref<80x128xf32, #tpu.memory_space<vmem>>) dst(%dma_wait3A_131 : memref<10240x128xf32, #tpu.memory_space<vmem_shared>>)
    %barrier3A_132 = arith.constant 0 : index
    tpu.barrier barrier_id(%barrier3A_132)
    %mul3A_133 = arith.constant 640 : i32
    %mul3A_134 = arith.muli %arg1, %mul3A_133 : i32
    %mul3A_135 = arith.constant 640 : i32
    %mul3A_136 = arith.muli %arg1, %mul3A_135 : i32
    "tpu.region"() ({
      %run_scoped3A = tpu.sem_alloc : memref<!tpu.dma_semaphore, #tpu.memory_space<semaphore_mem>>
      %dma_start3A_137 = arith.constant 0 : i32
      %dma_start3A_138 = tpu.memref_slice %arg6[%arg0, %mul3A_136, %dma_start3A_137] : memref<2x10240x128xf32, #tpu.memory_space<hbm>> -> memref<1x640x128xf32, #tpu.memory_space<hbm>>
      %dma_start3A_139 = tpu.memref_squeeze %dma_start3A_138 : memref<1x640x128xf32, #tpu.memory_space<hbm>> -> memref<640x128xf32, #tpu.memory_space<hbm>>
      %dma_start3A_140 = arith.constant 0 : i32
      %dma_start3A_141 = tpu.memref_slice %arg10[%mul3A_134, %dma_start3A_140] : memref<10240x128xf32, #tpu.memory_space<vmem_shared>> -> memref<640x128xf32, #tpu.memory_space<vmem_shared>>
      tpu.enqueue_dma source(%dma_start3A_141 : memref<640x128xf32, #tpu.memory_space<vmem_shared>>) target(%dma_start3A_139 : memref<640x128xf32, #tpu.memory_space<hbm>>) target_semaphore(%run_scoped3A : memref<!tpu.dma_semaphore, #tpu.memory_space<semaphore_mem>>)
      %dma_wait3A_142 = arith.constant 0 : i32
      %dma_wait3A_143 = tpu.memref_slice %arg6[%arg0, %mul3A_136, %dma_wait3A_142] : memref<2x10240x128xf32, #tpu.memory_space<hbm>> -> memref<1x640x128xf32, #tpu.memory_space<hbm>>
      %dma_wait3A_144 = tpu.memref_squeeze %dma_wait3A_143 : memref<1x640x128xf32, #tpu.memory_space<hbm>> -> memref<640x128xf32, #tpu.memory_space<hbm>>
      %dma_wait3A_145 = arith.constant 0 : i32
      %dma_wait3A_146 = tpu.memref_slice %arg10[%mul3A_134, %dma_wait3A_145] : memref<10240x128xf32, #tpu.memory_space<vmem_shared>> -> memref<640x128xf32, #tpu.memory_space<vmem_shared>>
      tpu.wait_dma2 semaphore(%run_scoped3A : memref<!tpu.dma_semaphore, #tpu.memory_space<semaphore_mem>>) src(%dma_wait3A_146 : memref<640x128xf32, #tpu.memory_space<vmem_shared>>) dst(%dma_wait3A_144 : memref<640x128xf32, #tpu.memory_space<hbm>>)
      tpu.yield
    }) : () -> ()
    return
  }
}

#map = affine_map<(d0, d1) -> (0, 0)>
#map1 = affine_map<(d0, d1) -> (0)>
#map2 = affine_map<(d0, d1) -> (0, 0, 0)>
module attributes {stable_mosaic.version = 14 : i64} {
  func.func @agg(%arg0: i32, %arg1: i32, %arg2: memref<10000x128xf32, #tpu.memory_space<hbm>>, %arg3: memref<320000xi32, #tpu.memory_space<hbm>>, %arg4: memref<32x125x80xi32, #tpu.memory_space<hbm>>, %arg5: memref<10240x128xf32, #tpu.memory_space<hbm>>, %arg6: memref<2x10240x128xf32, #tpu.memory_space<hbm>>, %arg7: memref<10000xi32, #tpu.memory_space<vmem>>, %arg8: memref<125x80xi32, #tpu.memory_space<vmem>>, %arg9: memref<2x80x128xf32, #tpu.memory_space<vmem>>, %arg10: memref<10240x128xf32, #tpu.memory_space<vmem_shared>>, %arg11: memref<!tpu.dma_semaphore, #tpu.memory_space<semaphore_mem>>, %arg12: memref<!tpu.dma_semaphore, #tpu.memory_space<semaphore_mem>>) attributes {dimension_semantics = [#tpu.dimension_semantics<core_parallel>, #tpu.dimension_semantics<subcore_parallel>], iteration_bounds = array<i64: 2, 16>, scalar_prefetch = 0 : i64, scratch_operands = 6 : i64, tpu.core_type = #tpu.core_type<sc_vector_subcore>, window_params = [{transform_indices = #map}, {transform_indices = #map1}, {transform_indices = #map2}, {transform_indices = #map}, {transform_indices = #map2}]} {
    %mul3A = arith.constant 16 : i32
    %mul3A_0 = arith.muli %arg0, %mul3A : i32
    %add3A = arith.addi %mul3A_0, %arg1 : i32
    %mul3A_1 = arith.constant 10000 : i32
    %mul3A_2 = arith.muli %add3A, %mul3A_1 : i32
    %dma_start3A = tpu.memref_slice %arg3[%mul3A_2] : memref<320000xi32, #tpu.memory_space<hbm>> -> memref<10000xi32, #tpu.memory_space<hbm>>
    %dma_start3A_3 = tpu.memref_slice %arg3[%mul3A_2] : memref<320000xi32, #tpu.memory_space<hbm>> -> memref<10000xi32, #tpu.memory_space<hbm>>
    tpu.enqueue_dma source(%dma_start3A_3 : memref<10000xi32, #tpu.memory_space<hbm>>) target(%arg7 : memref<10000xi32, #tpu.memory_space<vmem>>) target_semaphore(%arg11 : memref<!tpu.dma_semaphore, #tpu.memory_space<semaphore_mem>>)
    %dma_start3A_4 = arith.constant 0 : i32
    %dma_start3A_5 = arith.constant 0 : i32
    %dma_start3A_6 = tpu.memref_slice %arg4[%add3A, %dma_start3A_4, %dma_start3A_5] : memref<32x125x80xi32, #tpu.memory_space<hbm>> -> memref<1x125x80xi32, #tpu.memory_space<hbm>>
    %dma_start3A_7 = tpu.memref_squeeze %dma_start3A_6 : memref<1x125x80xi32, #tpu.memory_space<hbm>> -> memref<125x80xi32, #tpu.memory_space<hbm>>
    %dma_start3A_8 = arith.constant 0 : i32
    %dma_start3A_9 = arith.constant 0 : i32
    %dma_start3A_10 = tpu.memref_slice %arg4[%add3A, %dma_start3A_8, %dma_start3A_9] : memref<32x125x80xi32, #tpu.memory_space<hbm>> -> memref<1x125x80xi32, #tpu.memory_space<hbm>>
    %dma_start3A_11 = tpu.memref_squeeze %dma_start3A_10 : memref<1x125x80xi32, #tpu.memory_space<hbm>> -> memref<125x80xi32, #tpu.memory_space<hbm>>
    tpu.enqueue_dma source(%dma_start3A_11 : memref<125x80xi32, #tpu.memory_space<hbm>>) target(%arg8 : memref<125x80xi32, #tpu.memory_space<vmem>>) target_semaphore(%arg11 : memref<!tpu.dma_semaphore, #tpu.memory_space<semaphore_mem>>)
    %mul3A_12 = arith.constant 640 : i32
    %mul3A_13 = arith.muli %arg1, %mul3A_12 : i32
    %mul3A_14 = arith.constant 640 : i32
    %mul3A_15 = arith.muli %arg1, %mul3A_14 : i32
    %dma_start3A_16 = arith.constant 0 : i32
    %dma_start3A_17 = tpu.memref_slice %arg10[%mul3A_15, %dma_start3A_16] : memref<10240x128xf32, #tpu.memory_space<vmem_shared>> -> memref<640x128xf32, #tpu.memory_space<vmem_shared>>
    %dma_start3A_18 = arith.constant 0 : i32
    %dma_start3A_19 = tpu.memref_slice %arg5[%mul3A_13, %dma_start3A_18] : memref<10240x128xf32, #tpu.memory_space<hbm>> -> memref<640x128xf32, #tpu.memory_space<hbm>>
    tpu.enqueue_dma source(%dma_start3A_19 : memref<640x128xf32, #tpu.memory_space<hbm>>) target(%dma_start3A_17 : memref<640x128xf32, #tpu.memory_space<vmem_shared>>) target_semaphore(%arg12 : memref<!tpu.dma_semaphore, #tpu.memory_space<semaphore_mem>>)
    %mul3A_20 = arith.constant 10000 : i32
    %mul3A_21 = arith.muli %add3A, %mul3A_20 : i32
    %dma_wait3A = tpu.memref_slice %arg3[%mul3A_21] : memref<320000xi32, #tpu.memory_space<hbm>> -> memref<10000xi32, #tpu.memory_space<hbm>>
    %dma_wait3A_22 = tpu.memref_slice %arg3[%mul3A_21] : memref<320000xi32, #tpu.memory_space<hbm>> -> memref<10000xi32, #tpu.memory_space<hbm>>
    tpu.wait_dma2 semaphore(%arg11 : memref<!tpu.dma_semaphore, #tpu.memory_space<semaphore_mem>>) src(%dma_wait3A_22 : memref<10000xi32, #tpu.memory_space<hbm>>) dst(%arg7 : memref<10000xi32, #tpu.memory_space<vmem>>)
    %dma_wait3A_23 = arith.constant 0 : i32
    %dma_wait3A_24 = arith.constant 0 : i32
    %dma_wait3A_25 = tpu.memref_slice %arg4[%add3A, %dma_wait3A_23, %dma_wait3A_24] : memref<32x125x80xi32, #tpu.memory_space<hbm>> -> memref<1x125x80xi32, #tpu.memory_space<hbm>>
    %dma_wait3A_26 = tpu.memref_squeeze %dma_wait3A_25 : memref<1x125x80xi32, #tpu.memory_space<hbm>> -> memref<125x80xi32, #tpu.memory_space<hbm>>
    %dma_wait3A_27 = arith.constant 0 : i32
    %dma_wait3A_28 = arith.constant 0 : i32
    %dma_wait3A_29 = tpu.memref_slice %arg4[%add3A, %dma_wait3A_27, %dma_wait3A_28] : memref<32x125x80xi32, #tpu.memory_space<hbm>> -> memref<1x125x80xi32, #tpu.memory_space<hbm>>
    %dma_wait3A_30 = tpu.memref_squeeze %dma_wait3A_29 : memref<1x125x80xi32, #tpu.memory_space<hbm>> -> memref<125x80xi32, #tpu.memory_space<hbm>>
    tpu.wait_dma2 semaphore(%arg11 : memref<!tpu.dma_semaphore, #tpu.memory_space<semaphore_mem>>) src(%dma_wait3A_30 : memref<125x80xi32, #tpu.memory_space<hbm>>) dst(%arg8 : memref<125x80xi32, #tpu.memory_space<vmem>>)
    %mul3A_31 = arith.constant 640 : i32
    %mul3A_32 = arith.muli %arg1, %mul3A_31 : i32
    %mul3A_33 = arith.constant 640 : i32
    %mul3A_34 = arith.muli %arg1, %mul3A_33 : i32
    %dma_wait3A_35 = arith.constant 0 : i32
    %dma_wait3A_36 = tpu.memref_slice %arg10[%mul3A_34, %dma_wait3A_35] : memref<10240x128xf32, #tpu.memory_space<vmem_shared>> -> memref<640x128xf32, #tpu.memory_space<vmem_shared>>
    %dma_wait3A_37 = arith.constant 0 : i32
    %dma_wait3A_38 = tpu.memref_slice %arg5[%mul3A_32, %dma_wait3A_37] : memref<10240x128xf32, #tpu.memory_space<hbm>> -> memref<640x128xf32, #tpu.memory_space<hbm>>
    tpu.wait_dma2 semaphore(%arg12 : memref<!tpu.dma_semaphore, #tpu.memory_space<semaphore_mem>>) src(%dma_wait3A_38 : memref<640x128xf32, #tpu.memory_space<hbm>>) dst(%dma_wait3A_36 : memref<640x128xf32, #tpu.memory_space<vmem_shared>>)
    %barrier3A = arith.constant 0 : index
    tpu.barrier barrier_id(%barrier3A)
    %dma_start3A_39 = arith.constant 0 : i32
    %dma_start3A_40 = arith.constant 0 : i32
    %dma_start3A_41 = arith.constant 0 : i32
    %dma_start3A_42 = tpu.memref_slice %arg9[%dma_start3A_39, %dma_start3A_40, %dma_start3A_41] : memref<2x80x128xf32, #tpu.memory_space<vmem>> -> memref<1x80x128xf32, #tpu.memory_space<vmem>>
    %dma_start3A_43 = tpu.memref_squeeze %dma_start3A_42 : memref<1x80x128xf32, #tpu.memory_space<vmem>> -> memref<80x128xf32, #tpu.memory_space<vmem>>
    %dma_start3A_44 = arith.constant 0 : i32
    %dma_start3A_45 = tpu.memref_slice %arg7[%dma_start3A_44] : memref<10000xi32, #tpu.memory_space<vmem>> -> memref<80xi32, #tpu.memory_space<vmem>>
    %dma_start3A_46 = arith.constant 0 : i32
    %dma_start3A_47 = arith.constant 0 : i32
    %dma_start3A_48 = tpu.memref_slice %arg2[%dma_start3A_46, %dma_start3A_47] : memref<10000x128xf32, #tpu.memory_space<hbm>> -> memref<10000x128xf32, #tpu.memory_space<hbm>>
    tpu.enqueue_indirect_dma source(%dma_start3A_48 : memref<10000x128xf32, #tpu.memory_space<hbm>>) target(%dma_start3A_43 : memref<80x128xf32, #tpu.memory_space<vmem>>) offsets(%dma_start3A_45 : memref<80xi32, #tpu.memory_space<vmem>>) semaphore(%arg11 : memref<!tpu.dma_semaphore, #tpu.memory_space<semaphore_mem>>)
    %dma_wait3A_49 = arith.constant 0 : i32
    %dma_wait3A_50 = arith.constant 0 : i32
    %dma_wait3A_51 = arith.constant 0 : i32
    %dma_wait3A_52 = tpu.memref_slice %arg9[%dma_wait3A_49, %dma_wait3A_50, %dma_wait3A_51] : memref<2x80x128xf32, #tpu.memory_space<vmem>> -> memref<1x80x128xf32, #tpu.memory_space<vmem>>
    %dma_wait3A_53 = tpu.memref_squeeze %dma_wait3A_52 : memref<1x80x128xf32, #tpu.memory_space<vmem>> -> memref<80x128xf32, #tpu.memory_space<vmem>>
    %dma_wait3A_54 = arith.constant 0 : i32
    %dma_wait3A_55 = tpu.memref_slice %arg7[%dma_wait3A_54] : memref<10000xi32, #tpu.memory_space<vmem>> -> memref<80xi32, #tpu.memory_space<vmem>>
    %dma_wait3A_56 = arith.constant 0 : i32
    %dma_wait3A_57 = arith.constant 0 : i32
    %dma_wait3A_58 = tpu.memref_slice %arg2[%dma_wait3A_56, %dma_wait3A_57] : memref<10000x128xf32, #tpu.memory_space<hbm>> -> memref<10000x128xf32, #tpu.memory_space<hbm>>
    tpu.wait_indirect_dma semaphore(%arg11 : memref<!tpu.dma_semaphore, #tpu.memory_space<semaphore_mem>>) src(%dma_wait3A_58 : memref<10000x128xf32, #tpu.memory_space<hbm>>) dst(%dma_wait3A_53 : memref<80x128xf32, #tpu.memory_space<vmem>>)
    %dma_start3A_59 = arith.constant 0 : i32
    %dma_start3A_60 = arith.constant 0 : i32
    %dma_start3A_61 = arith.constant 0 : i32
    %dma_start3A_62 = arith.constant 0 : i32
    %dma_start3A_63 = tpu.memref_slice %arg9[%dma_start3A_59, %dma_start3A_61, %dma_start3A_62] : memref<2x80x128xf32, #tpu.memory_space<vmem>> -> memref<1x80x128xf32, #tpu.memory_space<vmem>>
    %dma_start3A_64 = tpu.memref_squeeze %dma_start3A_63 : memref<1x80x128xf32, #tpu.memory_space<vmem>> -> memref<80x128xf32, #tpu.memory_space<vmem>>
    %dma_start3A_65 = arith.constant 0 : i32
    %dma_start3A_66 = tpu.memref_slice %arg8[%dma_start3A_60, %dma_start3A_65] : memref<125x80xi32, #tpu.memory_space<vmem>> -> memref<1x80xi32, #tpu.memory_space<vmem>>
    %dma_start3A_67 = tpu.memref_squeeze %dma_start3A_66 : memref<1x80xi32, #tpu.memory_space<vmem>> -> memref<80xi32, #tpu.memory_space<vmem>>
    %dma_start3A_68 = arith.constant 0 : i32
    %dma_start3A_69 = arith.constant 0 : i32
    %dma_start3A_70 = tpu.memref_slice %arg10[%dma_start3A_68, %dma_start3A_69] : memref<10240x128xf32, #tpu.memory_space<vmem_shared>> -> memref<10240x128xf32, #tpu.memory_space<vmem_shared>>
    tpu.enqueue_indirect_dma source(%dma_start3A_64 : memref<80x128xf32, #tpu.memory_space<vmem>>) target(%dma_start3A_70 : memref<10240x128xf32, #tpu.memory_space<vmem_shared>>) offsets(%dma_start3A_67 : memref<80xi32, #tpu.memory_space<vmem>>) semaphore(%arg12 : memref<!tpu.dma_semaphore, #tpu.memory_space<semaphore_mem>>) {add = true}
    %dma_start3A_71 = arith.constant 1 : i32
    %dma_start3A_72 = arith.constant 0 : i32
    %dma_start3A_73 = arith.constant 0 : i32
    %dma_start3A_74 = tpu.memref_slice %arg9[%dma_start3A_71, %dma_start3A_72, %dma_start3A_73] : memref<2x80x128xf32, #tpu.memory_space<vmem>> -> memref<1x80x128xf32, #tpu.memory_space<vmem>>
    %dma_start3A_75 = tpu.memref_squeeze %dma_start3A_74 : memref<1x80x128xf32, #tpu.memory_space<vmem>> -> memref<80x128xf32, #tpu.memory_space<vmem>>
    %dma_start3A_76 = arith.constant 80 : i32
    %dma_start3A_77 = tpu.memref_slice %arg7[%dma_start3A_76] : memref<10000xi32, #tpu.memory_space<vmem>> -> memref<80xi32, #tpu.memory_space<vmem>>
    %dma_start3A_78 = arith.constant 0 : i32
    %dma_start3A_79 = arith.constant 0 : i32
    %dma_start3A_80 = tpu.memref_slice %arg2[%dma_start3A_78, %dma_start3A_79] : memref<10000x128xf32, #tpu.memory_space<hbm>> -> memref<10000x128xf32, #tpu.memory_space<hbm>>
    tpu.enqueue_indirect_dma source(%dma_start3A_80 : memref<10000x128xf32, #tpu.memory_space<hbm>>) target(%dma_start3A_75 : memref<80x128xf32, #tpu.memory_space<vmem>>) offsets(%dma_start3A_77 : memref<80xi32, #tpu.memory_space<vmem>>) semaphore(%arg11 : memref<!tpu.dma_semaphore, #tpu.memory_space<semaphore_mem>>)
    %scan3A = arith.constant 0 : i32
    %scan3A_81 = arith.constant 1 : i32
    %scan3A_82 = arith.constant 123 : i32
    %scan3A_83 = arith.addi %scan3A_81, %scan3A_82 : i32
    %scan3A_84 = arith.constant 1 : i32
    scf.for %scan3A_137 = %scan3A_81 to %scan3A_83 step %scan3A_84  : i32 {
      %rem3A = arith.constant 2 : i32
      %rem3A_138 = arith.remsi %scan3A_137, %rem3A : i32
      %dma_wait3A_139 = arith.constant 0 : i32
      %dma_wait3A_140 = arith.constant 0 : i32
      %dma_wait3A_141 = tpu.memref_slice %arg9[%rem3A_138, %dma_wait3A_139, %dma_wait3A_140] : memref<2x80x128xf32, #tpu.memory_space<vmem>> -> memref<1x80x128xf32, #tpu.memory_space<vmem>>
      %dma_wait3A_142 = tpu.memref_squeeze %dma_wait3A_141 : memref<1x80x128xf32, #tpu.memory_space<vmem>> -> memref<80x128xf32, #tpu.memory_space<vmem>>
      %dma_wait3A_143 = arith.constant 0 : i32
      %dma_wait3A_144 = tpu.memref_slice %arg7[%dma_wait3A_143] : memref<10000xi32, #tpu.memory_space<vmem>> -> memref<80xi32, #tpu.memory_space<vmem>>
      %dma_wait3A_145 = arith.constant 0 : i32
      %dma_wait3A_146 = arith.constant 0 : i32
      %dma_wait3A_147 = tpu.memref_slice %arg2[%dma_wait3A_145, %dma_wait3A_146] : memref<10000x128xf32, #tpu.memory_space<hbm>> -> memref<10000x128xf32, #tpu.memory_space<hbm>>
      tpu.wait_indirect_dma semaphore(%arg11 : memref<!tpu.dma_semaphore, #tpu.memory_space<semaphore_mem>>) src(%dma_wait3A_147 : memref<10000x128xf32, #tpu.memory_space<hbm>>) dst(%dma_wait3A_142 : memref<80x128xf32, #tpu.memory_space<vmem>>)
      %dma_start3A_148 = arith.constant 0 : i32
      %dma_start3A_149 = arith.constant 0 : i32
      %dma_start3A_150 = tpu.memref_slice %arg9[%rem3A_138, %dma_start3A_148, %dma_start3A_149] : memref<2x80x128xf32, #tpu.memory_space<vmem>> -> memref<1x80x128xf32, #tpu.memory_space<vmem>>
      %dma_start3A_151 = tpu.memref_squeeze %dma_start3A_150 : memref<1x80x128xf32, #tpu.memory_space<vmem>> -> memref<80x128xf32, #tpu.memory_space<vmem>>
      %dma_start3A_152 = arith.constant 0 : i32
      %dma_start3A_153 = tpu.memref_slice %arg8[%scan3A_137, %dma_start3A_152] : memref<125x80xi32, #tpu.memory_space<vmem>> -> memref<1x80xi32, #tpu.memory_space<vmem>>
      %dma_start3A_154 = tpu.memref_squeeze %dma_start3A_153 : memref<1x80xi32, #tpu.memory_space<vmem>> -> memref<80xi32, #tpu.memory_space<vmem>>
      %dma_start3A_155 = arith.constant 0 : i32
      %dma_start3A_156 = arith.constant 0 : i32
      %dma_start3A_157 = tpu.memref_slice %arg10[%dma_start3A_155, %dma_start3A_156] : memref<10240x128xf32, #tpu.memory_space<vmem_shared>> -> memref<10240x128xf32, #tpu.memory_space<vmem_shared>>
      tpu.enqueue_indirect_dma source(%dma_start3A_151 : memref<80x128xf32, #tpu.memory_space<vmem>>) target(%dma_start3A_157 : memref<10240x128xf32, #tpu.memory_space<vmem_shared>>) offsets(%dma_start3A_154 : memref<80xi32, #tpu.memory_space<vmem>>) semaphore(%arg12 : memref<!tpu.dma_semaphore, #tpu.memory_space<semaphore_mem>>) {add = true}
      %sub3A = arith.constant 1 : i32
      %sub3A_158 = arith.subi %sub3A, %rem3A_138 : i32
      %dma_wait3A_159 = arith.constant 0 : i32
      %dma_wait3A_160 = arith.constant 0 : i32
      %dma_wait3A_161 = arith.constant 0 : i32
      %dma_wait3A_162 = tpu.memref_slice %arg9[%sub3A_158, %dma_wait3A_160, %dma_wait3A_161] : memref<2x80x128xf32, #tpu.memory_space<vmem>> -> memref<1x80x128xf32, #tpu.memory_space<vmem>>
      %dma_wait3A_163 = tpu.memref_squeeze %dma_wait3A_162 : memref<1x80x128xf32, #tpu.memory_space<vmem>> -> memref<80x128xf32, #tpu.memory_space<vmem>>
      %dma_wait3A_164 = arith.constant 0 : i32
      %dma_wait3A_165 = tpu.memref_slice %arg8[%dma_wait3A_159, %dma_wait3A_164] : memref<125x80xi32, #tpu.memory_space<vmem>> -> memref<1x80xi32, #tpu.memory_space<vmem>>
      %dma_wait3A_166 = tpu.memref_squeeze %dma_wait3A_165 : memref<1x80xi32, #tpu.memory_space<vmem>> -> memref<80xi32, #tpu.memory_space<vmem>>
      %dma_wait3A_167 = arith.constant 0 : i32
      %dma_wait3A_168 = arith.constant 0 : i32
      %dma_wait3A_169 = tpu.memref_slice %arg10[%dma_wait3A_167, %dma_wait3A_168] : memref<10240x128xf32, #tpu.memory_space<vmem_shared>> -> memref<10240x128xf32, #tpu.memory_space<vmem_shared>>
      tpu.wait_indirect_dma semaphore(%arg12 : memref<!tpu.dma_semaphore, #tpu.memory_space<semaphore_mem>>) src(%dma_wait3A_163 : memref<80x128xf32, #tpu.memory_space<vmem>>) dst(%dma_wait3A_169 : memref<10240x128xf32, #tpu.memory_space<vmem_shared>>)
      %add3A_170 = arith.constant 1 : i32
      %add3A_171 = arith.addi %scan3A_137, %add3A_170 : i32
      %sub3A_172 = arith.constant 1 : i32
      %sub3A_173 = arith.subi %sub3A_172, %rem3A_138 : i32
      %mul3A_174 = arith.constant 80 : i32
      %mul3A_175 = arith.muli %add3A_171, %mul3A_174 : i32
      %dma_start3A_176 = arith.constant 0 : i32
      %dma_start3A_177 = arith.constant 0 : i32
      %dma_start3A_178 = tpu.memref_slice %arg9[%sub3A_173, %dma_start3A_176, %dma_start3A_177] : memref<2x80x128xf32, #tpu.memory_space<vmem>> -> memref<1x80x128xf32, #tpu.memory_space<vmem>>
      %dma_start3A_179 = tpu.memref_squeeze %dma_start3A_178 : memref<1x80x128xf32, #tpu.memory_space<vmem>> -> memref<80x128xf32, #tpu.memory_space<vmem>>
      %dma_start3A_180 = tpu.memref_slice %arg7[%mul3A_175] : memref<10000xi32, #tpu.memory_space<vmem>> -> memref<80xi32, #tpu.memory_space<vmem>>
      %dma_start3A_181 = arith.constant 0 : i32
      %dma_start3A_182 = arith.constant 0 : i32
      %dma_start3A_183 = tpu.memref_slice %arg2[%dma_start3A_181, %dma_start3A_182] : memref<10000x128xf32, #tpu.memory_space<hbm>> -> memref<10000x128xf32, #tpu.memory_space<hbm>>
      tpu.enqueue_indirect_dma source(%dma_start3A_183 : memref<10000x128xf32, #tpu.memory_space<hbm>>) target(%dma_start3A_179 : memref<80x128xf32, #tpu.memory_space<vmem>>) offsets(%dma_start3A_180 : memref<80xi32, #tpu.memory_space<vmem>>) semaphore(%arg11 : memref<!tpu.dma_semaphore, #tpu.memory_space<semaphore_mem>>)
    }
    %scan3A_85 = arith.constant 123 : i32
    %dma_wait3A_86 = arith.constant 0 : i32
    %dma_wait3A_87 = arith.constant 0 : i32
    %dma_wait3A_88 = arith.constant 0 : i32
    %dma_wait3A_89 = tpu.memref_slice %arg9[%dma_wait3A_86, %dma_wait3A_87, %dma_wait3A_88] : memref<2x80x128xf32, #tpu.memory_space<vmem>> -> memref<1x80x128xf32, #tpu.memory_space<vmem>>
    %dma_wait3A_90 = tpu.memref_squeeze %dma_wait3A_89 : memref<1x80x128xf32, #tpu.memory_space<vmem>> -> memref<80x128xf32, #tpu.memory_space<vmem>>
    %dma_wait3A_91 = arith.constant 0 : i32
    %dma_wait3A_92 = tpu.memref_slice %arg7[%dma_wait3A_91] : memref<10000xi32, #tpu.memory_space<vmem>> -> memref<80xi32, #tpu.memory_space<vmem>>
    %dma_wait3A_93 = arith.constant 0 : i32
    %dma_wait3A_94 = arith.constant 0 : i32
    %dma_wait3A_95 = tpu.memref_slice %arg2[%dma_wait3A_93, %dma_wait3A_94] : memref<10000x128xf32, #tpu.memory_space<hbm>> -> memref<10000x128xf32, #tpu.memory_space<hbm>>
    tpu.wait_indirect_dma semaphore(%arg11 : memref<!tpu.dma_semaphore, #tpu.memory_space<semaphore_mem>>) src(%dma_wait3A_95 : memref<10000x128xf32, #tpu.memory_space<hbm>>) dst(%dma_wait3A_90 : memref<80x128xf32, #tpu.memory_space<vmem>>)
    %dma_start3A_96 = arith.constant 0 : i32
    %dma_start3A_97 = arith.constant 124 : i32
    %dma_start3A_98 = arith.constant 0 : i32
    %dma_start3A_99 = arith.constant 0 : i32
    %dma_start3A_100 = tpu.memref_slice %arg9[%dma_start3A_96, %dma_start3A_98, %dma_start3A_99] : memref<2x80x128xf32, #tpu.memory_space<vmem>> -> memref<1x80x128xf32, #tpu.memory_space<vmem>>
    %dma_start3A_101 = tpu.memref_squeeze %dma_start3A_100 : memref<1x80x128xf32, #tpu.memory_space<vmem>> -> memref<80x128xf32, #tpu.memory_space<vmem>>
    %dma_start3A_102 = arith.constant 0 : i32
    %dma_start3A_103 = tpu.memref_slice %arg8[%dma_start3A_97, %dma_start3A_102] : memref<125x80xi32, #tpu.memory_space<vmem>> -> memref<1x80xi32, #tpu.memory_space<vmem>>
    %dma_start3A_104 = tpu.memref_squeeze %dma_start3A_103 : memref<1x80xi32, #tpu.memory_space<vmem>> -> memref<80xi32, #tpu.memory_space<vmem>>
    %dma_start3A_105 = arith.constant 0 : i32
    %dma_start3A_106 = arith.constant 0 : i32
    %dma_start3A_107 = tpu.memref_slice %arg10[%dma_start3A_105, %dma_start3A_106] : memref<10240x128xf32, #tpu.memory_space<vmem_shared>> -> memref<10240x128xf32, #tpu.memory_space<vmem_shared>>
    tpu.enqueue_indirect_dma source(%dma_start3A_101 : memref<80x128xf32, #tpu.memory_space<vmem>>) target(%dma_start3A_107 : memref<10240x128xf32, #tpu.memory_space<vmem_shared>>) offsets(%dma_start3A_104 : memref<80xi32, #tpu.memory_space<vmem>>) semaphore(%arg12 : memref<!tpu.dma_semaphore, #tpu.memory_space<semaphore_mem>>) {add = true}
    %dma_wait3A_108 = arith.constant 0 : i32
    %dma_wait3A_109 = arith.constant 0 : i32
    %dma_wait3A_110 = arith.constant 0 : i32
    %dma_wait3A_111 = arith.constant 0 : i32
    %dma_wait3A_112 = tpu.memref_slice %arg9[%dma_wait3A_108, %dma_wait3A_110, %dma_wait3A_111] : memref<2x80x128xf32, #tpu.memory_space<vmem>> -> memref<1x80x128xf32, #tpu.memory_space<vmem>>
    %dma_wait3A_113 = tpu.memref_squeeze %dma_wait3A_112 : memref<1x80x128xf32, #tpu.memory_space<vmem>> -> memref<80x128xf32, #tpu.memory_space<vmem>>
    %dma_wait3A_114 = arith.constant 0 : i32
    %dma_wait3A_115 = tpu.memref_slice %arg8[%dma_wait3A_109, %dma_wait3A_114] : memref<125x80xi32, #tpu.memory_space<vmem>> -> memref<1x80xi32, #tpu.memory_space<vmem>>
    %dma_wait3A_116 = tpu.memref_squeeze %dma_wait3A_115 : memref<1x80xi32, #tpu.memory_space<vmem>> -> memref<80xi32, #tpu.memory_space<vmem>>
    %dma_wait3A_117 = arith.constant 0 : i32
    %dma_wait3A_118 = arith.constant 0 : i32
    %dma_wait3A_119 = tpu.memref_slice %arg10[%dma_wait3A_117, %dma_wait3A_118] : memref<10240x128xf32, #tpu.memory_space<vmem_shared>> -> memref<10240x128xf32, #tpu.memory_space<vmem_shared>>
    tpu.wait_indirect_dma semaphore(%arg12 : memref<!tpu.dma_semaphore, #tpu.memory_space<semaphore_mem>>) src(%dma_wait3A_113 : memref<80x128xf32, #tpu.memory_space<vmem>>) dst(%dma_wait3A_119 : memref<10240x128xf32, #tpu.memory_space<vmem_shared>>)
    %dma_wait3A_120 = arith.constant 1 : i32
    %dma_wait3A_121 = arith.constant 0 : i32
    %dma_wait3A_122 = arith.constant 0 : i32
    %dma_wait3A_123 = arith.constant 0 : i32
    %dma_wait3A_124 = tpu.memref_slice %arg9[%dma_wait3A_120, %dma_wait3A_122, %dma_wait3A_123] : memref<2x80x128xf32, #tpu.memory_space<vmem>> -> memref<1x80x128xf32, #tpu.memory_space<vmem>>
    %dma_wait3A_125 = tpu.memref_squeeze %dma_wait3A_124 : memref<1x80x128xf32, #tpu.memory_space<vmem>> -> memref<80x128xf32, #tpu.memory_space<vmem>>
    %dma_wait3A_126 = arith.constant 0 : i32
    %dma_wait3A_127 = tpu.memref_slice %arg8[%dma_wait3A_121, %dma_wait3A_126] : memref<125x80xi32, #tpu.memory_space<vmem>> -> memref<1x80xi32, #tpu.memory_space<vmem>>
    %dma_wait3A_128 = tpu.memref_squeeze %dma_wait3A_127 : memref<1x80xi32, #tpu.memory_space<vmem>> -> memref<80xi32, #tpu.memory_space<vmem>>
    %dma_wait3A_129 = arith.constant 0 : i32
    %dma_wait3A_130 = arith.constant 0 : i32
    %dma_wait3A_131 = tpu.memref_slice %arg10[%dma_wait3A_129, %dma_wait3A_130] : memref<10240x128xf32, #tpu.memory_space<vmem_shared>> -> memref<10240x128xf32, #tpu.memory_space<vmem_shared>>
    tpu.wait_indirect_dma semaphore(%arg12 : memref<!tpu.dma_semaphore, #tpu.memory_space<semaphore_mem>>) src(%dma_wait3A_125 : memref<80x128xf32, #tpu.memory_space<vmem>>) dst(%dma_wait3A_131 : memref<10240x128xf32, #tpu.memory_space<vmem_shared>>)
    %barrier3A_132 = arith.constant 0 : index
    tpu.barrier barrier_id(%barrier3A_132)
    %mul3A_133 = arith.constant 640 : i32
    %mul3A_134 = arith.muli %arg1, %mul3A_133 : i32
    %mul3A_135 = arith.constant 640 : i32
    %mul3A_136 = arith.muli %arg1, %mul3A_135 : i32
    "tpu.region"() ({
      %run_scoped3A = tpu.sem_alloc : memref<!tpu.dma_semaphore, #tpu.memory_space<semaphore_mem>>
      %dma_start3A_137 = arith.constant 0 : i32
      %dma_start3A_138 = tpu.memref_slice %arg6[%arg0, %mul3A_136, %dma_start3A_137] : memref<2x10240x128xf32, #tpu.memory_space<hbm>> -> memref<1x640x128xf32, #tpu.memory_space<hbm>>
      %dma_start3A_139 = tpu.memref_squeeze %dma_start3A_138 : memref<1x640x128xf32, #tpu.memory_space<hbm>> -> memref<640x128xf32, #tpu.memory_space<hbm>>
      %dma_start3A_140 = arith.constant 0 : i32
      %dma_start3A_141 = tpu.memref_slice %arg10[%mul3A_134, %dma_start3A_140] : memref<10240x128xf32, #tpu.memory_space<vmem_shared>> -> memref<640x128xf32, #tpu.memory_space<vmem_shared>>
      tpu.enqueue_dma source(%dma_start3A_141 : memref<640x128xf32, #tpu.memory_space<vmem_shared>>) target(%dma_start3A_139 : memref<640x128xf32, #tpu.memory_space<hbm>>) target_semaphore(%run_scoped3A : memref<!tpu.dma_semaphore, #tpu.memory_space<semaphore_mem>>)
      %dma_wait3A_142 = arith.constant 0 : i32
      %dma_wait3A_143 = tpu.memref_slice %arg6[%arg0, %mul3A_136, %dma_wait3A_142] : memref<2x10240x128xf32, #tpu.memory_space<hbm>> -> memref<1x640x128xf32, #tpu.memory_space<hbm>>
      %dma_wait3A_144 = tpu.memref_squeeze %dma_wait3A_143 : memref<1x640x128xf32, #tpu.memory_space<hbm>> -> memref<640x128xf32, #tpu.memory_space<hbm>>
      %dma_wait3A_145 = arith.constant 0 : i32
      %dma_wait3A_146 = tpu.memref_slice %arg10[%mul3A_134, %dma_wait3A_145] : memref<10240x128xf32, #tpu.memory_space<vmem_shared>> -> memref<640x128xf32, #tpu.memory_space<vmem_shared>>
      tpu.wait_dma2 semaphore(%run_scoped3A : memref<!tpu.dma_semaphore, #tpu.memory_space<semaphore_mem>>) src(%dma_wait3A_146 : memref<640x128xf32, #tpu.memory_space<vmem_shared>>) dst(%dma_wait3A_144 : memref<640x128xf32, #tpu.memory_space<hbm>>)
      tpu.yield
    }) : () -> ()
    return
  }
}

module attributes {stable_mosaic.version = 14 : i64} {
  func.func @_b0_body(%arg0: memref<10000x128xf32, #tpu.memory_space<vmem>>, %arg1: memref<2x2x10240x1xf32, #tpu.memory_space<vmem>>, %arg2: memref<10000x128xf32, #tpu.memory_space<vmem>>, %arg3: memref<10000x1xf32, #tpu.memory_space<vmem>>, %arg4: memref<10000x1xf32, #tpu.memory_space<vmem>>) attributes {dimension_semantics = [], scalar_prefetch = 0 : i64, scratch_operands = 0 : i64, tpu.core_type = #tpu.core_type<tc>} {
    %get3A = arith.constant 0 : index
    %get3A_0 = arith.constant 0 : index
    %get3A_1 = arith.constant 0 : index
    %get3A_2 = arith.constant 0 : index
    %get3A_3 = vector.load %arg1[%get3A, %get3A_0, %get3A_1, %get3A_2] : memref<2x2x10240x1xf32, #tpu.memory_space<vmem>>, vector<1x1x10000x1xf32>
    %get3A_4 = vector.shape_cast %get3A_3 : vector<1x1x10000x1xf32> to vector<10000x1xf32>
    %get3A_5 = arith.constant 1 : index
    %get3A_6 = arith.constant 0 : index
    %get3A_7 = arith.constant 0 : index
    %get3A_8 = arith.constant 0 : index
    %get3A_9 = vector.load %arg1[%get3A_5, %get3A_6, %get3A_7, %get3A_8] : memref<2x2x10240x1xf32, #tpu.memory_space<vmem>>, vector<1x1x10000x1xf32>
    %get3A_10 = vector.shape_cast %get3A_9 : vector<1x1x10000x1xf32> to vector<10000x1xf32>
    %add3A = arith.addf %get3A_4, %get3A_10 : vector<10000x1xf32>
    %get3A_11 = arith.constant 0 : index
    %get3A_12 = arith.constant 1 : index
    %get3A_13 = arith.constant 0 : index
    %get3A_14 = arith.constant 0 : index
    %get3A_15 = vector.load %arg1[%get3A_11, %get3A_12, %get3A_13, %get3A_14] : memref<2x2x10240x1xf32, #tpu.memory_space<vmem>>, vector<1x1x10000x1xf32>
    %get3A_16 = vector.shape_cast %get3A_15 : vector<1x1x10000x1xf32> to vector<10000x1xf32>
    %get3A_17 = arith.constant 1 : index
    %get3A_18 = arith.constant 1 : index
    %get3A_19 = arith.constant 0 : index
    %get3A_20 = arith.constant 0 : index
    %get3A_21 = vector.load %arg1[%get3A_17, %get3A_18, %get3A_19, %get3A_20] : memref<2x2x10240x1xf32, #tpu.memory_space<vmem>>, vector<1x1x10000x1xf32>
    %get3A_22 = vector.shape_cast %get3A_21 : vector<1x1x10000x1xf32> to vector<10000x1xf32>
    %add3A_23 = arith.addf %get3A_16, %get3A_22 : vector<10000x1xf32>
    %gt3A = arith.constant 0.000000e+00 : f32
    %gt3A_24 = vector.broadcast %gt3A : f32 to vector<10000x1xf32>
    %gt3A_25 = arith.cmpf ogt, %add3A, %gt3A_24 : vector<10000x1xf32>
    %rsqrt3A = math.rsqrt %add3A : vector<10000x1xf32>
    %jit3A = arith.constant 0.000000e+00 : f32
    %broadcast_in_dim3A = vector.broadcast %jit3A : f32 to vector<10000x1xf32>
    %select_n3A = arith.select %gt3A_25, %rsqrt3A, %broadcast_in_dim3A : vector<10000x1xi1>, vector<10000x1xf32>
    %gt3A_26 = arith.constant 0.000000e+00 : f32
    %gt3A_27 = vector.broadcast %gt3A_26 : f32 to vector<10000x1xf32>
    %gt3A_28 = arith.cmpf ogt, %add3A_23, %gt3A_27 : vector<10000x1xf32>
    %rsqrt3A_29 = math.rsqrt %add3A_23 : vector<10000x1xf32>
    %jit3A_30 = arith.constant 0.000000e+00 : f32
    %broadcast_in_dim3A_31 = vector.broadcast %jit3A_30 : f32 to vector<10000x1xf32>
    %select_n3A_32 = arith.select %gt3A_28, %rsqrt3A_29, %broadcast_in_dim3A_31 : vector<10000x1xi1>, vector<10000x1xf32>
    %swap3A = arith.constant 0 : index
    %swap3A_33 = arith.constant 0 : index
    %swap3A_34 = vector.load %arg3[%swap3A, %swap3A_33] : memref<10000x1xf32, #tpu.memory_space<vmem>>, vector<10000x1xf32>
    tpu.vector_store %arg3[%swap3A, %swap3A_33], %select_n3A {strides = array<i32>} : memref<10000x1xf32, #tpu.memory_space<vmem>>, vector<10000x1xf32>,
    %swap3A_35 = arith.constant 0 : index
    %swap3A_36 = arith.constant 0 : index
    %swap3A_37 = vector.load %arg4[%swap3A_35, %swap3A_36] : memref<10000x1xf32, #tpu.memory_space<vmem>>, vector<10000x1xf32>
    tpu.vector_store %arg4[%swap3A_35, %swap3A_36], %select_n3A_32 {strides = array<i32>} : memref<10000x1xf32, #tpu.memory_space<vmem>>, vector<10000x1xf32>,
    %get3A_38 = arith.constant 0 : index
    %get3A_39 = arith.constant 0 : index
    %get3A_40 = vector.load %arg0[%get3A_38, %get3A_39] : memref<10000x128xf32, #tpu.memory_space<vmem>>, vector<10000x128xf32>
    %mul3A = vector.broadcast %select_n3A : vector<10000x1xf32> to vector<10000x128xf32>
    %mul3A_41 = arith.mulf %get3A_40, %mul3A : vector<10000x128xf32>
    %swap3A_42 = arith.constant 0 : index
    %swap3A_43 = arith.constant 0 : index
    %swap3A_44 = vector.load %arg2[%swap3A_42, %swap3A_43] : memref<10000x128xf32, #tpu.memory_space<vmem>>, vector<10000x128xf32>
    tpu.vector_store %arg2[%swap3A_42, %swap3A_43], %mul3A_41 {strides = array<i32>} : memref<10000x128xf32, #tpu.memory_space<vmem>>, vector<10000x128xf32>,
    return
  }
}

module attributes {stable_mosaic.version = 14 : i64} {
  func.func @_bmid_body(%arg0: memref<2x10240x128xf32, #tpu.memory_space<vmem>>, %arg1: memref<10000x1xf32, #tpu.memory_space<vmem>>, %arg2: memref<128x128xf32, #tpu.memory_space<vmem>>, %arg3: memref<1x128xf32, #tpu.memory_space<vmem>>, %arg4: memref<10000x1xf32, #tpu.memory_space<vmem>>, %arg5: memref<10000x128xf32, #tpu.memory_space<vmem>>) attributes {dimension_semantics = [], scalar_prefetch = 0 : i64, scratch_operands = 0 : i64, tpu.core_type = #tpu.core_type<tc>} {
    %get3A = arith.constant 0 : index
    %get3A_0 = arith.constant 0 : index
    %get3A_1 = arith.constant 0 : index
    %get3A_2 = vector.load %arg0[%get3A, %get3A_0, %get3A_1] : memref<2x10240x128xf32, #tpu.memory_space<vmem>>, vector<1x10000x128xf32>
    %get3A_3 = vector.shape_cast %get3A_2 : vector<1x10000x128xf32> to vector<10000x128xf32>
    %get3A_4 = arith.constant 1 : index
    %get3A_5 = arith.constant 0 : index
    %get3A_6 = arith.constant 0 : index
    %get3A_7 = vector.load %arg0[%get3A_4, %get3A_5, %get3A_6] : memref<2x10240x128xf32, #tpu.memory_space<vmem>>, vector<1x10000x128xf32>
    %get3A_8 = vector.shape_cast %get3A_7 : vector<1x10000x128xf32> to vector<10000x128xf32>
    %add3A = arith.addf %get3A_3, %get3A_8 : vector<10000x128xf32>
    %get3A_9 = arith.constant 0 : index
    %get3A_10 = arith.constant 0 : index
    %get3A_11 = vector.load %arg1[%get3A_9, %get3A_10] : memref<10000x1xf32, #tpu.memory_space<vmem>>, vector<10000x1xf32>
    %mul3A = vector.broadcast %get3A_11 : vector<10000x1xf32> to vector<10000x128xf32>
    %mul3A_12 = arith.mulf %add3A, %mul3A : vector<10000x128xf32>
    %get3A_13 = arith.constant 0 : index
    %get3A_14 = arith.constant 0 : index
    %get3A_15 = vector.load %arg2[%get3A_13, %get3A_14] : memref<128x128xf32, #tpu.memory_space<vmem>>, vector<128x128xf32>
    %dot_general3A = arith.constant dense<0.000000e+00> : vector<10000x128xf32>
    %dot_general3A_16 = tpu.matmul %mul3A_12, %get3A_15, %dot_general3A {dimension_numbers = #tpu.dot_dimension_numbers<[1], [0], [0], [1], [0, 0, 1, 1], [], []>, transpose_lhs_hint = false} : vector<10000x128xf32>, vector<128x128xf32>, vector<10000x128xf32> -> vector<10000x128xf32>
    %get3A_17 = arith.constant 0 : index
    %get3A_18 = arith.constant 0 : index
    %get3A_19 = vector.load %arg3[%get3A_17, %get3A_18] : memref<1x128xf32, #tpu.memory_space<vmem>>, vector<1x128xf32>
    %add3A_20 = vector.broadcast %get3A_19 : vector<1x128xf32> to vector<10000x128xf32>
    %add3A_21 = arith.addf %dot_general3A_16, %add3A_20 : vector<10000x128xf32>
    %max3A = arith.constant 0.000000e+00 : f32
    %max3A_22 = vector.broadcast %max3A : f32 to vector<10000x128xf32>
    %max3A_23 = arith.maximumf %add3A_21, %max3A_22 : vector<10000x128xf32>
    %reduce_sum3A = vector.shape_cast %max3A_23 : vector<10000x128xf32> to vector<1x10000x128xf32>
    %reduce_sum3A_24 = arith.constant dense<0.000000e+00> : vector<1xf32>
    %reduce_sum3A_25 = vector.multi_reduction <add>, %reduce_sum3A, %reduce_sum3A_24 [1, 2] : vector<1x10000x128xf32> to vector<1xf32>
    %reduce_sum3A_26 = vector.shape_cast %reduce_sum3A_25 : vector<1xf32> to vector<1x1x1xf32>
    %reduce_sum3A_27 = vector.extract %reduce_sum3A_26[0, 0, 0] : f32 from vector<1x1x1xf32>
    %div3A = arith.constant 1.280000e+06 : f32
    %div3A_28 = arith.divf %reduce_sum3A_27, %div3A : f32
    %sub3A = vector.broadcast %div3A_28 : f32 to vector<10000x128xf32>
    %sub3A_29 = arith.subf %max3A_23, %sub3A : vector<10000x128xf32>
    %sub3A_30 = vector.broadcast %div3A_28 : f32 to vector<10000x128xf32>
    %sub3A_31 = arith.subf %max3A_23, %sub3A_30 : vector<10000x128xf32>
    %mul3A_32 = arith.mulf %sub3A_29, %sub3A_31 : vector<10000x128xf32>
    %reduce_sum3A_33 = vector.shape_cast %mul3A_32 : vector<10000x128xf32> to vector<1x10000x128xf32>
    %reduce_sum3A_34 = arith.constant dense<0.000000e+00> : vector<1xf32>
    %reduce_sum3A_35 = vector.multi_reduction <add>, %reduce_sum3A_33, %reduce_sum3A_34 [1, 2] : vector<1x10000x128xf32> to vector<1xf32>
    %reduce_sum3A_36 = vector.shape_cast %reduce_sum3A_35 : vector<1xf32> to vector<1x1x1xf32>
    %reduce_sum3A_37 = vector.extract %reduce_sum3A_36[0, 0, 0] : f32 from vector<1x1x1xf32>
    %div3A_38 = arith.constant 1.280000e+06 : f32
    %div3A_39 = arith.divf %reduce_sum3A_37, %div3A_38 : f32
    %sub3A_40 = vector.broadcast %div3A_28 : f32 to vector<10000x128xf32>
    %sub3A_41 = arith.subf %max3A_23, %sub3A_40 : vector<10000x128xf32>
    %add3A_42 = arith.constant 9.99999974E-6 : f32
    %add3A_43 = arith.addf %div3A_39, %add3A_42 : f32
    %rsqrt3A = math.rsqrt %add3A_43 : f32
    %mul3A_44 = vector.broadcast %rsqrt3A : f32 to vector<10000x128xf32>
    %mul3A_45 = arith.mulf %sub3A_41, %mul3A_44 : vector<10000x128xf32>
    %get3A_46 = arith.constant 0 : index
    %get3A_47 = arith.constant 0 : index
    %get3A_48 = vector.load %arg4[%get3A_46, %get3A_47] : memref<10000x1xf32, #tpu.memory_space<vmem>>, vector<10000x1xf32>
    %mul3A_49 = vector.broadcast %get3A_48 : vector<10000x1xf32> to vector<10000x128xf32>
    %mul3A_50 = arith.mulf %mul3A_45, %mul3A_49 : vector<10000x128xf32>
    %swap3A = arith.constant 0 : index
    %swap3A_51 = arith.constant 0 : index
    %swap3A_52 = vector.load %arg5[%swap3A, %swap3A_51] : memref<10000x128xf32, #tpu.memory_space<vmem>>, vector<10000x128xf32>
    tpu.vector_store %arg5[%swap3A, %swap3A_51], %mul3A_50 {strides = array<i32>} : memref<10000x128xf32, #tpu.memory_space<vmem>>, vector<10000x128xf32>,
    return
  }
}

module attributes {stable_mosaic.version = 14 : i64} {
  func.func @_b3_body(%arg0: memref<2x10240x128xf32, #tpu.memory_space<vmem>>, %arg1: memref<10000x1xf32, #tpu.memory_space<vmem>>, %arg2: memref<128x40xf32, #tpu.memory_space<vmem>>, %arg3: memref<1x40xf32, #tpu.memory_space<vmem>>, %arg4: memref<10000x40xf32, #tpu.memory_space<vmem>>) attributes {dimension_semantics = [], scalar_prefetch = 0 : i64, scratch_operands = 0 : i64, tpu.core_type = #tpu.core_type<tc>} {
    %get3A = arith.constant 0 : index
    %get3A_0 = arith.constant 0 : index
    %get3A_1 = arith.constant 0 : index
    %get3A_2 = vector.load %arg0[%get3A, %get3A_0, %get3A_1] : memref<2x10240x128xf32, #tpu.memory_space<vmem>>, vector<1x10000x128xf32>
    %get3A_3 = vector.shape_cast %get3A_2 : vector<1x10000x128xf32> to vector<10000x128xf32>
    %get3A_4 = arith.constant 1 : index
    %get3A_5 = arith.constant 0 : index
    %get3A_6 = arith.constant 0 : index
    %get3A_7 = vector.load %arg0[%get3A_4, %get3A_5, %get3A_6] : memref<2x10240x128xf32, #tpu.memory_space<vmem>>, vector<1x10000x128xf32>
    %get3A_8 = vector.shape_cast %get3A_7 : vector<1x10000x128xf32> to vector<10000x128xf32>
    %add3A = arith.addf %get3A_3, %get3A_8 : vector<10000x128xf32>
    %get3A_9 = arith.constant 0 : index
    %get3A_10 = arith.constant 0 : index
    %get3A_11 = vector.load %arg1[%get3A_9, %get3A_10] : memref<10000x1xf32, #tpu.memory_space<vmem>>, vector<10000x1xf32>
    %mul3A = vector.broadcast %get3A_11 : vector<10000x1xf32> to vector<10000x128xf32>
    %mul3A_12 = arith.mulf %add3A, %mul3A : vector<10000x128xf32>
    %get3A_13 = arith.constant 0 : index
    %get3A_14 = arith.constant 0 : index
    %get3A_15 = vector.load %arg2[%get3A_13, %get3A_14] : memref<128x40xf32, #tpu.memory_space<vmem>>, vector<128x40xf32>
    %dot_general3A = arith.constant dense<0.000000e+00> : vector<10000x40xf32>
    %dot_general3A_16 = tpu.matmul %mul3A_12, %get3A_15, %dot_general3A {dimension_numbers = #tpu.dot_dimension_numbers<[1], [0], [0], [1], [0, 0, 1, 1], [], []>, transpose_lhs_hint = false} : vector<10000x128xf32>, vector<128x40xf32>, vector<10000x40xf32> -> vector<10000x40xf32>
    %get3A_17 = arith.constant 0 : index
    %get3A_18 = arith.constant 0 : index
    %get3A_19 = vector.load %arg3[%get3A_17, %get3A_18] : memref<1x40xf32, #tpu.memory_space<vmem>>, vector<1x40xf32>
    %add3A_20 = vector.broadcast %get3A_19 : vector<1x40xf32> to vector<10000x40xf32>
    %add3A_21 = arith.addf %dot_general3A_16, %add3A_20 : vector<10000x40xf32>
    %swap3A = arith.constant 0 : index
    %swap3A_22 = arith.constant 0 : index
    %swap3A_23 = vector.load %arg4[%swap3A, %swap3A_22] : memref<10000x40xf32, #tpu.memory_space<vmem>>, vector<10000x40xf32>
    tpu.vector_store %arg4[%swap3A, %swap3A_22], %add3A_21 {strides = array<i32>} : memref<10000x40xf32, #tpu.memory_space<vmem>>, vector<10000x40xf32>,
    return
  }
}

</mosaic_0001>

<sc_bundles>
// kernel: kernel.10.cloned.1.call-start
scs
__scs_entry_jumppad:
0x0: {  	(pc) =	sbr.rel $0x88, $3  }
0x1: {  	(tag) =	ssettag $0x0;
	lr =	simm.s32 $0x1  }
0x2: {  	[smem:$0x3F99] =	sst lr;
	_ =	strace $0xD0000000  }
0x3: {  	_ = 	snop  }
0x4: {  	_ = 	snop  }
0x5: {  	_ = 	snop  }
0x6: {  	_ = 	snop  }
0x7: {  	_ = 	snop  }
__scs_overlays_trampoline_lowered:
0x8: {  	[smem:$0x3FA8] =	sst s0  }
0x9: {  	[smem:$0x3FA9] =	sst s1  }
0xa: {  	[smem:$0x3FAA] =	sst s2  }
0xb: {  	[smem:$0x3FAB] =	sst s3  }
0xc: {  	[smem:$0x3FAC] =	sst s4  }
0xd: {  	[smem:$0x3FAD] =	sst s5  }
0xe: {  	[smem:$0x3FAE] =	sst s6  }
0xf: {  	[smem:$0x3FAF] =	sst s7  }
0x10: {  	[smem:$0x3FB0] =	sst s8  }
0x11: {  	[smem:$0x3FB1] =	sst s9;
	s0 =	simm.s32 @!p0 $0x0  }
0x12: {  	s1 =	sld [smem:$0x3F97];
	s0 =	simm.s32 @p0 $0x1  }
0x13: {  	[smem:$0x3FB2] =	sst s0;
	s0 =	simm.s32 @!p1 $0x0  }
0x14: {  	s2 =	sld [smem:$0x3F96];
	s0 =	simm.s32 @p1 $0x1  }
0x15: {  	[smem:$0x3FB3] =	sst s0;
	s0 =	simm.s32 @!p2 $0x0  }
0x16: {  	s3 =	sld [smem:$0x3FDB];
	s0 =	simm.s32 @p2 $0x1  }
0x17: {  	s4 =	simm.s32 $0x1BF5;
	[smem:$0x3FB5] =	sst s0  }
0x18: {  	s0 =	sld [smem:$0x3F98];
	_ =	swait.ge [sflag:s4], $0x0  }
0x19: {  	s7 =	sld [smem:$0x3F99]  }
0x1a: {  	s8 =	sadd.s32 $0xFFFFE003, lr  }
0x1b: {  	s9 =	sadd.s32 $0xFFFFFEF7, lr;
	s5 =	simm.s32 $0xFFFFFFFF;
	p2 =	slt.u32 s8, $0xFFFFF086  }
0x1c: {  	p1 =	slt.u32 s9, $0xF7A;
	s5 =	simm.s32 @!p2 $0x0  }
0x1d: {  	s5 =	simm.s32 @p1 $0x1;
	p0 =	seq.s32 s7, s2  }
0x1e: {  	s7 =	smul.u32 @!p0 $0xF7A, s2;
	p2 =	seq.s32 @!p0 s5, $0x0  }
0x1f: {  	s9 =	smul.u32 $0xF7A, s1;
	s8 =	simm.s32 @!p0 $0x1BF5;
	p2 =	por !p2, p0  }
0x20: {  	[sflag:s8] =	ssyncset.s32 @!p0 $0xFFFFF086;
	s6 =	sadd.s32 @!p0 s3, s7;
	s7 =	simm.s32 @!p0 $0x108  }
0x21: {  	s3 =	sadd.s32 s3, s9;
	s6 =	sadd.s32 @!p0 $0x88, s6;
	s7 =	simm.s32 @p2 $0x1082  }
0x22: {  	[simem:s7], [sflag:s8] =	dma.local @!p0 [hbm:s6], $0xF7A  }
0x23: {  	s9 =	sor.u32 $0xD0000000, s2;
	s6 =	simm.s32 $0x108;
	_ =	swait.ge @!p0 [sflag:s8], $0x0  }
0x24: {  	s3 =	sadd.s32 $0x88, s3;
	s6 =	simm.s32 @!p1 $0x1082;
	[sflag:s4] =	ssyncset.s32 $0xFFFFF086  }
0x25: {  	[simem:s6], [sflag:s4] =	dma.local [hbm:s3], $0xF7A  }
0x26: {  	[smem:$0x3F99] =	sst s1;
	(tag) =	ssettag s2;
	_ =	strace s9  }
0x27: {  	s1 =	sld [smem:$0x3FA9]  }
0x28: {  	s2 =	sld [smem:$0x3FAA]  }
0x29: {  	s4 =	sld [smem:$0x3FAC]  }
0x2a: {  	p0 =	seq.s32 s5, $0x0;
	s5 =	sld [smem:$0x3FAD]  }
0x2b: {  	s6 =	sld [smem:$0x3FAE]  }
0x2c: {  	s7 =	sld [smem:$0x3FAF]  }
0x2d: {  	s3 =	simm.s32 $0x108;
	s8 =	sld [smem:$0x3FB0]  }
0x2e: {  	s3 =	simm.s32 @!p0 $0x1082;
	s9 =	sld [smem:$0x3FB1]  }
0x2f: {  	lr =	sadd.s32 s0, s3;
	s0 =	sld [smem:$0x3FA8]  }
0x30: {  	s3 =	sld [smem:$0x3FAB]  }
0x31: {  	[smem:$0x3FB4] =	sst s10  }
0x32: {  	s10 =	sld [smem:$0x3FB2];
	_ =	sdelay $0x3  }
0x33: {  	p0 =	seq.s32 s10, $0x1;
	s10 =	sld [smem:$0x3FB4];
	_ =	sdelay $0x3  }
0x34: {  	[smem:$0x3FB4] =	sst s10  }
0x35: {  	s10 =	sld [smem:$0x3FB3];
	_ =	sdelay $0x3  }
0x36: {  	p1 =	seq.s32 s10, $0x1;
	s10 =	sld [smem:$0x3FB4];
	_ =	sdelay $0x3  }
0x37: {  	[smem:$0x3FB4] =	sst s10  }
0x38: {  	s10 =	sld [smem:$0x3FB5]  }
0x39: {  	_ = 	snop;
	(pc) =	sbr.ind lr, $3  }
0x3a: {  	_ = 	snop  }
0x3b: {  	_ = 	snop  }
0x3c: {  	p2 =	seq.s32 s10, $0x1;
	s10 =	sld [smem:$0x3FB4]  }
0x3d: {  	_ =	shalt  }
0x3e: {  	_ =	shalt  }
0x3f: {  	_ =	shalt  }
0x40: {  	_ =	shalt  }
0x41: {  	_ =	shalt  }
0x42: {  	_ =	shalt  }
0x43: {  	_ =	shalt  }
0x44: {  	_ =	shalt  }
0x45: {  	_ =	shalt  }
0x46: {  	_ =	shalt  }
0x47: {  	_ =	shalt  }
0x48: {  	_ =	shalt  }
0x49: {  	_ =	shalt  }
0x4a: {  	_ =	shalt  }
0x4b: {  	_ =	shalt  }
0x4c: {  	_ =	shalt  }
0x4d: {  	_ =	shalt  }
0x4e: {  	_ =	shalt  }
0x4f: {  	_ =	shalt  }
0x50: {  	_ =	shalt  }
0x51: {  	_ =	shalt  }
0x52: {  	_ =	shalt  }
0x53: {  	_ =	shalt  }
0x54: {  	_ =	shalt  }
0x55: {  	_ =	shalt  }
0x56: {  	_ =	shalt  }
0x57: {  	_ =	shalt  }
0x58: {  	_ =	shalt  }
0x59: {  	_ =	shalt  }
0x5a: {  	_ =	shalt  }
0x5b: {  	_ =	shalt  }
0x5c: {  	_ =	shalt  }
0x5d: {  	_ =	shalt  }
0x5e: {  	_ =	shalt  }
0x5f: {  	_ =	shalt  }
0x60: {  	_ =	shalt  }
0x61: {  	_ =	shalt  }
0x62: {  	_ =	shalt  }
0x63: {  	_ =	shalt  }
0x64: {  	_ =	shalt  }
0x65: {  	_ =	shalt  }
0x66: {  	_ =	shalt  }
0x67: {  	_ =	shalt  }
0x68: {  	_ =	shalt  }
0x69: {  	_ =	shalt  }
0x6a: {  	_ =	shalt  }
0x6b: {  	_ =	shalt  }
0x6c: {  	_ =	shalt  }
0x6d: {  	_ =	shalt  }
0x6e: {  	_ =	shalt  }
0x6f: {  	_ =	shalt  }
0x70: {  	_ =	shalt  }
0x71: {  	_ =	shalt  }
0x72: {  	_ =	shalt  }
0x73: {  	_ =	shalt  }
0x74: {  	_ =	shalt  }
0x75: {  	_ =	shalt  }
0x76: {  	_ =	shalt  }
0x77: {  	_ =	shalt  }
0x78: {  	_ =	shalt  }
0x79: {  	_ =	shalt  }
0x7a: {  	_ =	shalt  }
0x7b: {  	_ =	shalt  }
0x7c: {  	_ =	shalt  }
0x7d: {  	_ =	shalt  }
0x7e: {  	_ =	shalt  }
0x7f: {  	_ =	shalt  }
0x80: {  	_ =	shalt  }
0x81: {  	_ =	shalt  }
0x82: {  	_ =	shalt  }
0x83: {  	_ =	shalt  }
0x84: {  	_ =	shalt  }
0x85: {  	_ =	shalt  }
0x86: {  	_ =	shalt  }
0x87: {  	_ =	shalt  }
.Lfunc_end0:
.L_simem_size_0:
called_computation_lowered:
.L_overlay_start_0:
0x88: {  	s2 =	sld [smem:$0x3FD9]  }
0x89: {  	s3 =	sld [smem:$0x3FFE];
	_ =	sdelay $0x1  }
0x8a: {  	s1 =	srdreg.scid  }
0x8b: {  	s0 =	sand.u32 $0x1, s1  }
0x8c: {  	s17 =	sshll.u32 s0, $0xA;
	s2 =	sadd.s32 s3, s2  }
0x8d: {  	s2 =	sadd.s32 s2, s17  }
0x8e: {  	[smem:$0x3FC0] =	sst s2  }
0x8f: {  	_ = 	snop  }
0x90: {  	s2 =	sld [smem:$0x3FD0];
	(tm) =	ssettm $0x1  }
0x91: {  	s18 =	sld [smem:$0x3FFB];
	_ =	sdelay $0x3  }
0x92: {  	_ =	strace s18  }
0x93: {  	s3 =	sld [smem:$0x3FFC];
	_ =	sdelay $0x3  }
0x94: {  	_ =	strace s3  }
0x95: {  	s3 =	sld [smem:$0x3FFD];
	_ =	sdelay $0x3  }
0x96: {  	_ =	strace s3  }
0x97: {  	_ =	strace $0x8FFFFFFF  }
0x98: {  	s19 =	sld [smem:$0x3FDB];
	_ =	sdelay $0x1  }
0x99: {  	s4 =	simm.s32 $_scs_section_size  }
0x9a: {  	s5 =	simm.s32 $_size__tile_overlayer_lowered;
	s6 =	simm.s32 $_tile_overlayer_lowered  }
0x9b: {  	s22 =	simm.s32 $0x1BFF;
	s21 =	sshll.u32 s6, $0x1;
	s3 =	sadd.s32 s4, s19  }
0x9c: {  	s7 =	simm.s32 $0x0;
	s20 =	sshll.u32 s5, $0x1;
	s5 =	sadd.s32 s21, s3  }
0x9d: {  	[timem:s7], [sflag:s22] =	dma.local [hbm:s5], s20  }
0x9e: {  	_ =	swait.ge [sflag:s22], s20  }
0x9f: {  	s4 =	ssub.s32 $0x0, s20;
	[sflag:s22] =	ssyncset.done $0x0  }
0xa0: {  	[sflag:s22] =	ssyncadd.s32 s4;
	_ =	sdelay $0x1  }
0xa1: {  	s23 =	simm.s32 $0x1B8B  }
0xa2: {  	_ =	swait.ge [sflag:s23], $0x1  }
0xa3: {  	[sflag:s23] =	ssyncset.done $0x0  }
0xa4: {  	s25 =	simm.s32 $0x1B8E;
	s24 =	sld [smem:$0x3FFE];
	[sflag:s23] =	ssyncadd.s32 $0xFFFFFFFF  }
0xa5: {  	s26 =	simm.s32 $execute0_lowered;
	[smem:$0x3FD2] =	sst s25  }
0xa6: {  	s5 =	sshll.u32 s26, $0x1;
	_ =	strace $0x80000046;
	[dreg:$0x1] =	wrdreg $0xFFFFFFFF  }
0xa7: {  	s28 =	simm.s32 $_size_execute0_lowered;
	s3 =	sadd.s32 s3, s5;
	[dreg:$0x0] =	wrdreg $0x0  }
0xa8: {  	s5 =	sshll.u32 s28, $0x1;
	[dreg:$0x2] =	wrdreg s3  }
0xa9: {  	[dreg:$0x3] =	wrdreg s5  }
0xaa: {  	[dreg:$0x4] =	wrdreg $0xC0  }
0xab: {  	_ =	task [dreg:s7], $0x5FFFF  }
0xac: {  	[dreg:$0x1] =	wrdreg $0xFFFFFFFF  }
0xad: {  	[dreg:$0x0] =	wrdreg $0x60  }
0xae: {  	[dreg:$0x2] =	wrdreg s24  }
0xaf: {  	[dreg:$0x3] =	wrdreg s2  }
0xb0: {  	[dreg:$0x4] =	wrdreg $0xA4000  }
0xb1: {  	[dreg:$0x5] =	wrdreg $0x9  }
0xb2: {  	_ =	task.clear_ibuf [dreg:s7], $0x6FFFF;
	_ =	strace $0x90000046  }
0xb3: {  	s29 =	simm.s32 $0x9;
	_ =	strace $0x80000048  }
0xb4: {  	_ =	swait.ge [sflag:s29], $0x1  }
0xb5: {  	[sflag:s29] =	ssyncadd.s32 $0xFFFFFFFF  }
0xb6: {  	_ =	strace $0x90000048  }
0xb7: {  	_ =	sfence  }
0xb8: {  	s30 =	sld [smem:$0x0];
	_ =	sdelay $0x2  }
0xb9: {  	s31 =	sshll.u32 s1, $0xD;
	s1 =	sshrl.u32 s1, $0x2  }
0xba: {  	s3 =	sand.u32 $0x4000, s31;
	s1 =	sadd.s32 s1, s30  }
0xbb: {  	s0 =	sor.u32 s3, s0;
	s1 =	sshll.u32 s1, $0x11  }
0xbc: {  	s0 =	sor.u32 s1, s0  }
0xbd: {  	s0 =	sadd.s32 $0x8F2B, s0  }
0xbe: {  	[sflag:s0] =	ssyncadd.remote.s32 $0x1  }
0xbf: {  	_ =	sfence.sel $0xFFFF  }
0xc0: {  	[dreg:$0x0] =	wrdreg $0xFFFFFFFF;
	(pc) =	sbr.abs _section_cstart, $3  }
0xc1: {  	[dreg:$0x1] =	wrdreg $0xFFFFFFFF  }
0xc2: {  	_ =	task.clear_ibuf [dreg:s7], $0x2FFFF;
	_ =	strace $0x9FFFFFFF  }
0xc3: {  	(tm) =	ssettm $0x7FFFFFFF  }
tec
execute0_lowered:
.L_overlay_start_1:
0x0: {  	(tag) =	ssettag $0x1  }
0x1: {  	s6 =	rddreg [dreg:$0x0]  }
0x2: {  	s7 =	rddreg [dreg:$0x1]  }
0x3: {  	s0 =	srdreg.scid;
	s2 =	rddreg [dreg:$0x2];
	s3 =	simm.s32 $0x0  }
0x4: {  	s14 =	simm.s32 $0x2780;
	s15 =	simm.s32 $0x4F00;
	s5 =	sand.u32 $0x1, s0  }
0x5: {  	s16 =	simm.s32 $0x7700;
	s0 =	stileid.u32;
	s9 =	smul.u32 $0x5000, s5  }
0x6: {  	s17 =	simm.s32 $0x9F00;
	s18 =	simm.s32 $0xA180;
	s4 =	smul.u32 $0x280, s0  }
0x7: {  	s19 =	simm.s32 $0x0;
	s1 =	sshll.u32 s5, $0x4;
	s11 =	smul.u32 $0x14000, s0  }
0x8: {  	s5 =	ssub.s32 $0x2, s5;
	s30 =	smul.u32 $0xA00, s0;
	s1 =	sor.u32 s0, s1  }
0x9: {  	[smem:$0x7FF] =	sst s3;
	s29 =	sshrl.u32 s5, $0x1;
	s8 =	smul.u32 $0x4E2, s1  }
0xa: {  	s1 =	rddreg [dreg:$0x3];
	_ =	strace $0x80000047;
	s9 =	sadd.s32 s4, s9  }
0xb: {  	s13 =	ssub.s32 s5, s29;
	s31 =	sshrl.u32 s11, $0x2;
	s9 =	sshrl.u32 s9, $0x3  }
0xc: {  	s10 =	sadd.s32 s8, s6;
	s12 =	sadd.s32 s9, s6;
	s6 =	sadd.s32 s7, s8  }
0xd: {  	s7 =	sadd.s32 s31, s2;
	s9 =	sshrl.u32 s30, $0x2;
	s5 =	sadd.s32 $0x2800, s10  }
0xe: {  	s8 =	sadd.s32 $0x2800, s7;
	s9 =	sadd.s32 s9, s2;
	s10 =	sadd.s32 $0xC600, s12  }
0xf: {  	v0 =	vimm.f32 $0.0e+00;
	v1 =	vlaneseq.u32;
	v2 =	vimm.f32 $1.000000000e+00;
	s11 =	sadd.s32 $0xCB00, s12;
	s12 =	smax.u32 s13, $0x1;
	s13 =	simm.s32 $0x1  }
.LBB2_1:
0x10: {  	[tilespmem:s3], [sflag:$0x1] =	stream.linear.gather [hbm4b:s5+s3], $0x2710, $0x38;
	[tilespmem:$0xF400] =	vst v63  }
0x11: {  	_ =	swait.ge [sflag:s13], $0x2710  }
0x12: {  	[sflag:s13] =	ssyncset.done $0x0  }
0x13: {  	[sflag:s13] =	ssyncadd.s32 $0xFFFFD8F0  }
0x14: {  	[tilespmem:s14], [sflag:$0x1] =	stream.linear.gather [hbm4b:s6+s3], $0x2710, $0x38;
	[tilespmem:$0xF400] =	vst v63  }
0x15: {  	_ =	swait.ge [sflag:s13], $0x2710  }
0x16: {  	[sflag:s13] =	ssyncset.done $0x0  }
0x17: {  	s20 =	simm.s32 $0x0;
	[sflag:s13] =	ssyncadd.s32 $0xFFFFD8F0  }
.LBB2_2:
0x18: {  	p0 =	sne.s32 s20, $0x9FC0  }
.Ltmp0:
0x19: {  	_ = 	snop;
	(pc) =	sbr.rel @p0 .LBB2_2-.Ltmp0, $4  }
0x1a: {  	_ = 	snop  }
0x1b: {  	s21 =	sshra.s32 s20, $0x2  }
0x1c: {  	[tilespmem:s21+$0x4F00] =	vst v0  }
0x1d: {  	s20 =	sadd.s32 $0x40, s20;
	[tilespmem:s21+$0x7700] =	vst v0  }
0x1e: {  	s20 =	simm.s32 $0x0  }
0x1f: {  	v3 =	vor.u32 s20, v1;
	_ =	sdelay $0x4  }
0x20: {  	v4 =	vld.idx.msk [tilespmem:v3+s3+$0x0], $0xffff;
	_ =	sdelay $0x7  }
0x21: {  	[tilespmem:v4+s15+$0x0] =	vst.idx.add.f32.msk $0xffff, v2  }
0x22: {  	v4 =	vld.idx.msk [tilespmem:v3+s14+$0x0], $0xffff;
	_ =	sdelay $0x2  }
0x23: {  	s31 =	simm.s32 $0x10  }
0x24: {  	s20 =	simm.s32 $0x20;
	v3 =	vor.u32 s31, v1  }
.LBB2_4:
0x25: {  	p0 =	sne.s32 s20, $0x2700;
	_ =	sdelay $0x2  }
0x26: {  	[tilespmem:v4+s16+$0x0] =	vst.idx.add.f32.msk $0xffff, v2  }
0x27: {  	v4 =	vld.idx.msk [tilespmem:v3+s3+$0x0], $0xffff;
	_ =	sdelay $0x7  }
0x28: {  	[tilespmem:v4+s15+$0x0] =	vst.idx.add.f32.msk $0xffff, v2  }
.Ltmp1:
0x29: {  	v4 =	vld.idx.msk [tilespmem:v3+s14+$0x0], $0xffff;
	(pc) =	sbr.rel @p0 .LBB2_4-.Ltmp1, $2  }
0x2a: {  	_ =	sdelay $0x2  }
0x2b: {  	v3 =	vor.u32 s20, v1;
	s20 =	sadd.s32 $0x10, s20  }
0x2c: {  	_ =	sdelay $0x3  }
0x2d: {  	[tilespmem:v4+s16+$0x0] =	vst.idx.add.f32.msk $0xffff, v2  }
0x2e: {  	v4 =	vld.idx.msk [tilespmem:v3+s3+$0x0], $0xffff;
	_ =	sdelay $0x7  }
0x2f: {  	[tilespmem:v4+s15+$0x0] =	vst.idx.add.f32.msk $0xffff, v2  }
0x30: {  	v3 =	vld.idx.msk [tilespmem:v3+s14+$0x0], $0xffff;
	_ =	sdelay $0x7  }
0x31: {  	[tilespmem:v3+s16+$0x0] =	vst.idx.add.f32.msk $0xffff, v2  }
0x32: {  	[spmem:s7] =	stream.linear.scatter [tilespmem:s15], [sflag:$0x1], $0x2800, $0x38;
	[tilespmem:$0xF400] =	vst v63  }
0x33: {  	_ =	swait.ge [sflag:s13], $0x2800  }
0x34: {  	[sflag:s13] =	ssyncset.done $0x0  }
0x35: {  	[sflag:s13] =	ssyncadd.s32 $0xFFFFD800  }
0x36: {  	[spmem:s8] =	stream.linear.scatter [tilespmem:s16], [sflag:$0x1], $0x2800, $0x38;
	[tilespmem:$0xF400] =	vst v63  }
0x37: {  	_ =	swait.ge [sflag:s13], $0x2800  }
0x38: {  	[sflag:s13] =	ssyncset.done $0x0  }
0x39: {  	[sflag:s13] =	ssyncadd.s32 $0xFFFFD800  }
0x3a: {  	[bflag:$0x0] =	sbarrier.arrive $0xFFFF  }
0x3b: {  	[tilespmem:$0xA180] =	vst v0  }
0x3c: {  	[tilespmem:$0xA190] =	vst v0  }
0x3d: {  	[tilespmem:$0xA1A0] =	vst v0  }
0x3e: {  	[tilespmem:$0xA1B0] =	vst v0  }
0x3f: {  	[tilespmem:$0xA1C0] =	vst v0  }
0x40: {  	[tilespmem:$0xA1D0] =	vst v0  }
0x41: {  	[tilespmem:$0xA1E0] =	vst v0  }
0x42: {  	[tilespmem:$0xA1F0] =	vst v0  }
0x43: {  	[tilespmem:$0xA200] =	vst v0  }
0x44: {  	[tilespmem:$0xA210] =	vst v0  }
0x45: {  	[tilespmem:$0xA220] =	vst v0  }
0x46: {  	[tilespmem:$0xA230] =	vst v0  }
0x47: {  	[tilespmem:$0xA240] =	vst v0  }
0x48: {  	[tilespmem:$0xA250] =	vst v0  }
0x49: {  	[tilespmem:$0xA260] =	vst v0  }
0x4a: {  	[tilespmem:$0xA270] =	vst v0  }
0x4b: {  	[tilespmem:$0xA280] =	vst v0  }
0x4c: {  	[tilespmem:$0xA290] =	vst v0  }
0x4d: {  	[tilespmem:$0xA2A0] =	vst v0  }
0x4e: {  	[tilespmem:$0xA2B0] =	vst v0  }
0x4f: {  	[tilespmem:$0xA2C0] =	vst v0  }
0x50: {  	[tilespmem:$0xA2D0] =	vst v0  }
0x51: {  	[tilespmem:$0xA2E0] =	vst v0  }
0x52: {  	[tilespmem:$0xA2F0] =	vst v0  }
0x53: {  	[tilespmem:$0xA300] =	vst v0  }
0x54: {  	[tilespmem:$0xA310] =	vst v0  }
0x55: {  	[tilespmem:$0xA320] =	vst v0  }
0x56: {  	[tilespmem:$0xA330] =	vst v0  }
0x57: {  	[tilespmem:$0xA340] =	vst v0  }
0x58: {  	[tilespmem:$0xA350] =	vst v0  }
0x59: {  	[tilespmem:$0xA360] =	vst v0  }
0x5a: {  	[tilespmem:$0xA370] =	vst v0  }
0x5b: {  	[tilespmem:$0xA380] =	vst v0  }
0x5c: {  	[tilespmem:$0xA390] =	vst v0  }
0x5d: {  	[tilespmem:$0xA3A0] =	vst v0  }
0x5e: {  	[tilespmem:$0xA3B0] =	vst v0  }
0x5f: {  	[tilespmem:$0xA3C0] =	vst v0  }
0x60: {  	[tilespmem:$0xA3D0] =	vst v0  }
0x61: {  	[tilespmem:$0xA3E0] =	vst v0  }
0x62: {  	s20 =	simm.s32 $0x0;
	[tilespmem:$0xA3F0] =	vst v0  }
.LBB2_6:
0x63: {  	s21 =	smul.u32 $0x14000, s20;
	_ =	sdelay $0x1  }
0x64: {  	s21 =	sshra.s32 s21, $0x2  }
0x65: {  	s21 =	sadd.s32 s21, s9  }
0x66: {  	[tilespmem:s17], [sflag:$0x1] =	stream.linear.gather [spmem:s21], $0x280, $0x38;
	[tilespmem:$0xF400] =	vst v63  }
0x67: {  	_ =	swait.ge [sflag:s13], $0x280  }
0x68: {  	[sflag:s13] =	ssyncset.done $0x0  }
0x69: {  	s21 =	simm.s32 $0x0;
	[sflag:s13] =	ssyncadd.s32 $0xFFFFFD80  }
0x6a: {  	s22 =	simm.s32 $0x40;
	v3 =	vld [tilespmem:s21+$0x9F00]  }
.LBB2_7:
0x6b: {  	p0 =	sne.s32 s22, $0x9C0;
	v4 =	vld [tilespmem:s21+$0xA180];
	_ =	sdelay $0x2  }
.Ltmp2:
0x6c: {  	(pc) =	sbr.rel @p0 .LBB2_7-.Ltmp2, $4  }
0x6d: {  	_ = 	snop  }
0x6e: {  	v4 =	vadd.f32 v3, v4  }
0x6f: {  	s23 =	sshra.s32 s22, $0x2  }
0x70: {  	s22 =	sadd.s32 $0x40, s22;
	v3 =	vld [tilespmem:s23+$0x9F00];
	[tilespmem:s21+$0xA180] =	vst v4;
	s21 =	smov.u32 s23  }
0x71: {  	v4 =	vld [tilespmem:s21+$0xA180]  }
0x72: {  	s20 =	sadd.s32 $0x1, s20  }
0x73: {  	p0 =	sne.s32 s20, $0x10  }
.Ltmp3:
0x74: {  	_ = 	snop;
	(pc) =	sbr.rel @p0 .LBB2_6-.Ltmp3, $3  }
0x75: {  	_ = 	snop  }
0x76: {  	v3 =	vadd.f32 v3, v4;
	_ =	sdelay $0x1  }
0x77: {  	[tilespmem:s21+$0xA180] =	vst v3  }
0x78: {  	s20 =	simm.s32 $0x0  }
0x79: {  	[hbm4b:s10+s20] =	stream.linear.scatter [tilespmem:s18], [sflag:$0x1], $0x280, $0x38;
	[tilespmem:$0xF400] =	vst v63  }
0x7a: {  	_ =	swait.ge [sflag:s13], $0x280  }
0x7b: {  	[sflag:s13] =	ssyncset.done $0x0  }
0x7c: {  	[sflag:s13] =	ssyncadd.s32 $0xFFFFFD80  }
0x7d: {  	[tilespmem:$0xA180] =	vst v0  }
0x7e: {  	[tilespmem:$0xA190] =	vst v0  }
0x7f: {  	[tilespmem:$0xA1A0] =	vst v0  }
0x80: {  	[tilespmem:$0xA1B0] =	vst v0  }
0x81: {  	[tilespmem:$0xA1C0] =	vst v0  }
0x82: {  	[tilespmem:$0xA1D0] =	vst v0  }
0x83: {  	[tilespmem:$0xA1E0] =	vst v0  }
0x84: {  	[tilespmem:$0xA1F0] =	vst v0  }
0x85: {  	[tilespmem:$0xA200] =	vst v0  }
0x86: {  	[tilespmem:$0xA210] =	vst v0  }
0x87: {  	[tilespmem:$0xA220] =	vst v0  }
0x88: {  	[tilespmem:$0xA230] =	vst v0  }
0x89: {  	[tilespmem:$0xA240] =	vst v0  }
0x8a: {  	[tilespmem:$0xA250] =	vst v0  }
0x8b: {  	[tilespmem:$0xA260] =	vst v0  }
0x8c: {  	[tilespmem:$0xA270] =	vst v0  }
0x8d: {  	[tilespmem:$0xA280] =	vst v0  }
0x8e: {  	[tilespmem:$0xA290] =	vst v0  }
0x8f: {  	[tilespmem:$0xA2A0] =	vst v0  }
0x90: {  	[tilespmem:$0xA2B0] =	vst v0  }
0x91: {  	[tilespmem:$0xA2C0] =	vst v0  }
0x92: {  	[tilespmem:$0xA2D0] =	vst v0  }
0x93: {  	[tilespmem:$0xA2E0] =	vst v0  }
0x94: {  	[tilespmem:$0xA2F0] =	vst v0  }
0x95: {  	[tilespmem:$0xA300] =	vst v0  }
0x96: {  	[tilespmem:$0xA310] =	vst v0  }
0x97: {  	[tilespmem:$0xA320] =	vst v0  }
0x98: {  	[tilespmem:$0xA330] =	vst v0  }
0x99: {  	[tilespmem:$0xA340] =	vst v0  }
0x9a: {  	[tilespmem:$0xA350] =	vst v0  }
0x9b: {  	[tilespmem:$0xA360] =	vst v0  }
0x9c: {  	[tilespmem:$0xA370] =	vst v0  }
0x9d: {  	[tilespmem:$0xA380] =	vst v0  }
0x9e: {  	[tilespmem:$0xA390] =	vst v0  }
0x9f: {  	[tilespmem:$0xA3A0] =	vst v0  }
0xa0: {  	[tilespmem:$0xA3B0] =	vst v0  }
0xa1: {  	[tilespmem:$0xA3C0] =	vst v0  }
0xa2: {  	[tilespmem:$0xA3D0] =	vst v0  }
0xa3: {  	[tilespmem:$0xA3E0] =	vst v0  }
0xa4: {  	[tilespmem:$0xA3F0] =	vst v0  }
.LBB2_10:
0xa5: {  	s21 =	smul.u32 $0x14000, s20;
	_ =	sdelay $0x1  }
0xa6: {  	s21 =	sshra.s32 s21, $0x2  }
0xa7: {  	s21 =	sadd.s32 s21, s2  }
0xa8: {  	s21 =	sadd.s32 s4, s21  }
0xa9: {  	s21 =	sadd.s32 $0x2800, s21  }
0xaa: {  	[tilespmem:s17], [sflag:$0x1] =	stream.linear.gather [spmem:s21], $0x280, $0x38;
	[tilespmem:$0xF400] =	vst v63  }
0xab: {  	_ =	swait.ge [sflag:s13], $0x280  }
0xac: {  	[sflag:s13] =	ssyncset.done $0x0  }
0xad: {  	s21 =	simm.s32 $0x0;
	[sflag:s13] =	ssyncadd.s32 $0xFFFFFD80  }
0xae: {  	s22 =	simm.s32 $0x40;
	v3 =	vld [tilespmem:s21+$0x9F00]  }
.LBB2_11:
0xaf: {  	p0 =	sne.s32 s22, $0x9C0;
	v4 =	vld [tilespmem:s21+$0xA180];
	_ =	sdelay $0x2  }
.Ltmp4:
0xb0: {  	(pc) =	sbr.rel @p0 .LBB2_11-.Ltmp4, $4  }
0xb1: {  	_ = 	snop  }
0xb2: {  	v4 =	vadd.f32 v3, v4  }
0xb3: {  	s23 =	sshra.s32 s22, $0x2  }
0xb4: {  	s22 =	sadd.s32 $0x40, s22;
	v3 =	vld [tilespmem:s23+$0x9F00];
	[tilespmem:s21+$0xA180] =	vst v4;
	s21 =	smov.u32 s23  }
0xb5: {  	v4 =	vld [tilespmem:s21+$0xA180]  }
0xb6: {  	s20 =	sadd.s32 $0x1, s20  }
0xb7: {  	p0 =	sne.s32 s20, $0x10  }
.Ltmp5:
0xb8: {  	_ = 	snop;
	(pc) =	sbr.rel @p0 .LBB2_10-.Ltmp5, $3  }
0xb9: {  	_ = 	snop  }
0xba: {  	v3 =	vadd.f32 v3, v4;
	_ =	sdelay $0x1  }
0xbb: {  	[tilespmem:s21+$0xA180] =	vst v3  }
0xbc: {  	s19 =	sadd.s32 $0x1, s19  }
0xbd: {  	p0 =	sne.s32 s19, s12  }
.Ltmp6:
0xbe: {  	_ = 	snop;
	(pc) =	sbr.rel @p0 .LBB2_1-.Ltmp6, $4  }
0xbf: {  	[hbm4b:s11+s3] =	stream.linear.scatter [tilespmem:s18], [sflag:$0x1], $0x280, $0x38;
	[tilespmem:$0xF400] =	vst v63  }
0xc0: {  	_ =	swait.ge [sflag:s13], $0x280  }
0xc1: {  	[sflag:s13] =	ssyncset.done $0x0  }
0xc2: {  	[sflag:s13] =	ssyncadd.s32 $0xFFFFFD80  }
0xc3: {  	_ =	sfence.sel $0x180000  }
0xc4: {  	[bflag:$0x0] =	sbarrier.arrive $0xFFFF  }
0xc5: {  	p0 =	sne.s32 s0, $0x0;
	_ =	strace $0x90000047  }
0xc6: {  	s0 =	sadd.s32 @!p0 $0x100000, s1;
	[bflag:$0x2] =	sbarrier.arrive $0xFFFF  }
0xc7: {  	[sflag:s0] =	ssyncadd.tile.s32 @!p0 $0x1;
	_ =	shalt  }
.Lfunc_end2:
_tile_overlayer_lowered:
.L_overlay_start_2:
0xc8: {  	(tag) =	ssettag $0x2  }
0xc9: {  	s0 =	rddreg [dreg:$0x0];
	s2 =	stileid.u32  }
0xca: {  	s1 =	rddreg [dreg:$0x1];
	p0 =	sne.s32 s2, $0x0  }
0xcb: {  	s3 =	rddreg [dreg:$0x2];
	[bflag:$0x3] =	sbarrier.arrive $0xFFFF;
	s2 =	simm.s32 @!p0 $0x1C01  }
0xcc: {  	[timem:s3], [sflag:s2] =	dma.local @!p0 [hbm:s0], s1  }
0xcd: {  	s0 =	simm.s32 @!p0 $0x1  }
0xce: {  	_ =	swait.ge @!p0 [sflag:s0], s1  }
0xcf: {  	s1 =	ssub.s32 @!p0 $0x0, s1;
	[sflag:s0] =	ssyncset.done @!p0 $0x0  }
0xd0: {  	[sflag:s0] =	ssyncadd.s32 @!p0 s1  }
0xd1: {  	[bflag:$0x3] =	sbarrier.arrive $0xFFFF  }
0xd2: {  	_ =	shalt  }

// kernel: kernel.13.cloned.1.call-start
scs
__scs_entry_jumppad:
0x0: {  	(pc) =	sbr.rel $0x88, $3  }
0x1: {  	(tag) =	ssettag $0x0;
	lr =	simm.s32 $0x1  }
0x2: {  	[smem:$0x3F99] =	sst lr;
	_ =	strace $0xD0000000  }
0x3: {  	_ = 	snop  }
0x4: {  	_ = 	snop  }
0x5: {  	_ = 	snop  }
0x6: {  	_ = 	snop  }
0x7: {  	_ = 	snop  }
__scs_overlays_trampoline_lowered:
0x8: {  	[smem:$0x3FA8] =	sst s0  }
0x9: {  	[smem:$0x3FA9] =	sst s1  }
0xa: {  	[smem:$0x3FAA] =	sst s2  }
0xb: {  	[smem:$0x3FAB] =	sst s3  }
0xc: {  	[smem:$0x3FAC] =	sst s4  }
0xd: {  	[smem:$0x3FAD] =	sst s5  }
0xe: {  	[smem:$0x3FAE] =	sst s6  }
0xf: {  	[smem:$0x3FAF] =	sst s7  }
0x10: {  	[smem:$0x3FB0] =	sst s8  }
0x11: {  	[smem:$0x3FB1] =	sst s9;
	s0 =	simm.s32 @!p0 $0x0  }
0x12: {  	s1 =	sld [smem:$0x3F97];
	s0 =	simm.s32 @p0 $0x1  }
0x13: {  	[smem:$0x3FB2] =	sst s0;
	s0 =	simm.s32 @!p1 $0x0  }
0x14: {  	s2 =	sld [smem:$0x3F96];
	s0 =	simm.s32 @p1 $0x1  }
0x15: {  	[smem:$0x3FB3] =	sst s0;
	s0 =	simm.s32 @!p2 $0x0  }
0x16: {  	s3 =	sld [smem:$0x3FDB];
	s0 =	simm.s32 @p2 $0x1  }
0x17: {  	s4 =	simm.s32 $0x1BF5;
	[smem:$0x3FB5] =	sst s0  }
0x18: {  	s0 =	sld [smem:$0x3F98];
	_ =	swait.ge [sflag:s4], $0x0  }
0x19: {  	s7 =	sld [smem:$0x3F99]  }
0x1a: {  	s8 =	sadd.s32 $0xFFFFE003, lr  }
0x1b: {  	s9 =	sadd.s32 $0xFFFFFEF7, lr;
	s5 =	simm.s32 $0xFFFFFFFF;
	p2 =	slt.u32 s8, $0xFFFFF086  }
0x1c: {  	p1 =	slt.u32 s9, $0xF7A;
	s5 =	simm.s32 @!p2 $0x0  }
0x1d: {  	s5 =	simm.s32 @p1 $0x1;
	p0 =	seq.s32 s7, s2  }
0x1e: {  	s7 =	smul.u32 @!p0 $0xF7A, s2;
	p2 =	seq.s32 @!p0 s5, $0x0  }
0x1f: {  	s9 =	smul.u32 $0xF7A, s1;
	s8 =	simm.s32 @!p0 $0x1BF5;
	p2 =	por !p2, p0  }
0x20: {  	[sflag:s8] =	ssyncset.s32 @!p0 $0xFFFFF086;
	s6 =	sadd.s32 @!p0 s3, s7;
	s7 =	simm.s32 @!p0 $0x108  }
0x21: {  	s3 =	sadd.s32 s3, s9;
	s6 =	sadd.s32 @!p0 $0x88, s6;
	s7 =	simm.s32 @p2 $0x1082  }
0x22: {  	[simem:s7], [sflag:s8] =	dma.local @!p0 [hbm:s6], $0xF7A  }
0x23: {  	s9 =	sor.u32 $0xD0000000, s2;
	s6 =	simm.s32 $0x108;
	_ =	swait.ge @!p0 [sflag:s8], $0x0  }
0x24: {  	s3 =	sadd.s32 $0x88, s3;
	s6 =	simm.s32 @!p1 $0x1082;
	[sflag:s4] =	ssyncset.s32 $0xFFFFF086  }
0x25: {  	[simem:s6], [sflag:s4] =	dma.local [hbm:s3], $0xF7A  }
0x26: {  	[smem:$0x3F99] =	sst s1;
	(tag) =	ssettag s2;
	_ =	strace s9  }
0x27: {  	s1 =	sld [smem:$0x3FA9]  }
0x28: {  	s2 =	sld [smem:$0x3FAA]  }
0x29: {  	s4 =	sld [smem:$0x3FAC]  }
0x2a: {  	p0 =	seq.s32 s5, $0x0;
	s5 =	sld [smem:$0x3FAD]  }
0x2b: {  	s6 =	sld [smem:$0x3FAE]  }
0x2c: {  	s7 =	sld [smem:$0x3FAF]  }
0x2d: {  	s3 =	simm.s32 $0x108;
	s8 =	sld [smem:$0x3FB0]  }
0x2e: {  	s3 =	simm.s32 @!p0 $0x1082;
	s9 =	sld [smem:$0x3FB1]  }
0x2f: {  	lr =	sadd.s32 s0, s3;
	s0 =	sld [smem:$0x3FA8]  }
0x30: {  	s3 =	sld [smem:$0x3FAB]  }
0x31: {  	[smem:$0x3FB4] =	sst s10  }
0x32: {  	s10 =	sld [smem:$0x3FB2];
	_ =	sdelay $0x3  }
0x33: {  	p0 =	seq.s32 s10, $0x1;
	s10 =	sld [smem:$0x3FB4];
	_ =	sdelay $0x3  }
0x34: {  	[smem:$0x3FB4] =	sst s10  }
0x35: {  	s10 =	sld [smem:$0x3FB3];
	_ =	sdelay $0x3  }
0x36: {  	p1 =	seq.s32 s10, $0x1;
	s10 =	sld [smem:$0x3FB4];
	_ =	sdelay $0x3  }
0x37: {  	[smem:$0x3FB4] =	sst s10  }
0x38: {  	s10 =	sld [smem:$0x3FB5]  }
0x39: {  	_ = 	snop;
	(pc) =	sbr.ind lr, $3  }
0x3a: {  	_ = 	snop  }
0x3b: {  	_ = 	snop  }
0x3c: {  	p2 =	seq.s32 s10, $0x1;
	s10 =	sld [smem:$0x3FB4]  }
0x3d: {  	_ =	shalt  }
0x3e: {  	_ =	shalt  }
0x3f: {  	_ =	shalt  }
0x40: {  	_ =	shalt  }
0x41: {  	_ =	shalt  }
0x42: {  	_ =	shalt  }
0x43: {  	_ =	shalt  }
0x44: {  	_ =	shalt  }
0x45: {  	_ =	shalt  }
0x46: {  	_ =	shalt  }
0x47: {  	_ =	shalt  }
0x48: {  	_ =	shalt  }
0x49: {  	_ =	shalt  }
0x4a: {  	_ =	shalt  }
0x4b: {  	_ =	shalt  }
0x4c: {  	_ =	shalt  }
0x4d: {  	_ =	shalt  }
0x4e: {  	_ =	shalt  }
0x4f: {  	_ =	shalt  }
0x50: {  	_ =	shalt  }
0x51: {  	_ =	shalt  }
0x52: {  	_ =	shalt  }
0x53: {  	_ =	shalt  }
0x54: {  	_ =	shalt  }
0x55: {  	_ =	shalt  }
0x56: {  	_ =	shalt  }
0x57: {  	_ =	shalt  }
0x58: {  	_ =	shalt  }
0x59: {  	_ =	shalt  }
0x5a: {  	_ =	shalt  }
0x5b: {  	_ =	shalt  }
0x5c: {  	_ =	shalt  }
0x5d: {  	_ =	shalt  }
0x5e: {  	_ =	shalt  }
0x5f: {  	_ =	shalt  }
0x60: {  	_ =	shalt  }
0x61: {  	_ =	shalt  }
0x62: {  	_ =	shalt  }
0x63: {  	_ =	shalt  }
0x64: {  	_ =	shalt  }
0x65: {  	_ =	shalt  }
0x66: {  	_ =	shalt  }
0x67: {  	_ =	shalt  }
0x68: {  	_ =	shalt  }
0x69: {  	_ =	shalt  }
0x6a: {  	_ =	shalt  }
0x6b: {  	_ =	shalt  }
0x6c: {  	_ =	shalt  }
0x6d: {  	_ =	shalt  }
0x6e: {  	_ =	shalt  }
0x6f: {  	_ =	shalt  }
0x70: {  	_ =	shalt  }
0x71: {  	_ =	shalt  }
0x72: {  	_ =	shalt  }
0x73: {  	_ =	shalt  }
0x74: {  	_ =	shalt  }
0x75: {  	_ =	shalt  }
0x76: {  	_ =	shalt  }
0x77: {  	_ =	shalt  }
0x78: {  	_ =	shalt  }
0x79: {  	_ =	shalt  }
0x7a: {  	_ =	shalt  }
0x7b: {  	_ =	shalt  }
0x7c: {  	_ =	shalt  }
0x7d: {  	_ =	shalt  }
0x7e: {  	_ =	shalt  }
0x7f: {  	_ =	shalt  }
0x80: {  	_ =	shalt  }
0x81: {  	_ =	shalt  }
0x82: {  	_ =	shalt  }
0x83: {  	_ =	shalt  }
0x84: {  	_ =	shalt  }
0x85: {  	_ =	shalt  }
0x86: {  	_ =	shalt  }
0x87: {  	_ =	shalt  }
.Lfunc_end0:
.L_simem_size_0:
called_computation.1_lowered:
.L_overlay_start_0:
0x88: {  	s2 =	sld [smem:$0x3FD9]  }
0x89: {  	s3 =	sld [smem:$0x3FFE];
	_ =	sdelay $0x1  }
0x8a: {  	s1 =	srdreg.scid  }
0x8b: {  	s0 =	sand.u32 $0x1, s1  }
0x8c: {  	s16 =	sshll.u32 s0, $0xA;
	s2 =	sadd.s32 s3, s2  }
0x8d: {  	s2 =	sadd.s32 s2, s16  }
0x8e: {  	[smem:$0x3FC0] =	sst s2  }
0x8f: {  	_ = 	snop  }
0x90: {  	(tm) =	ssettm $0x1  }
0x91: {  	s17 =	sld [smem:$0x3FFB];
	_ =	sdelay $0x3  }
0x92: {  	_ =	strace s17  }
0x93: {  	s2 =	sld [smem:$0x3FFC];
	_ =	sdelay $0x3  }
0x94: {  	_ =	strace s2  }
0x95: {  	s2 =	sld [smem:$0x3FFD];
	_ =	sdelay $0x3  }
0x96: {  	_ =	strace s2  }
0x97: {  	_ =	strace $0x8FFFFFFF  }
0x98: {  	s18 =	sld [smem:$0x3FDB];
	_ =	sdelay $0x1  }
0x99: {  	s19 =	simm.s32 $_scs_section_size  }
0x9a: {  	s4 =	simm.s32 $_size__tile_overlayer_lowered;
	s5 =	simm.s32 $_tile_overlayer_lowered  }
0x9b: {  	s22 =	simm.s32 $0x1BFF;
	s21 =	sshll.u32 s5, $0x1;
	s2 =	sadd.s32 s19, s18  }
0x9c: {  	s6 =	simm.s32 $0x0;
	s20 =	sshll.u32 s4, $0x1;
	s4 =	sadd.s32 s21, s2  }
0x9d: {  	[timem:s6], [sflag:s22] =	dma.local [hbm:s4], s20  }
0x9e: {  	_ =	swait.ge [sflag:s22], s20  }
0x9f: {  	s3 =	ssub.s32 $0x0, s20;
	[sflag:s22] =	ssyncset.done $0x0  }
0xa0: {  	[sflag:s22] =	ssyncadd.s32 s3;
	_ =	sdelay $0x1  }
0xa1: {  	s23 =	simm.s32 $0x1B8B  }
0xa2: {  	_ =	swait.ge [sflag:s23], $0x1  }
0xa3: {  	[sflag:s23] =	ssyncset.done $0x0  }
0xa4: {  	s25 =	simm.s32 $0x1B8E;
	s24 =	sld [smem:$0x3FFE];
	[sflag:s23] =	ssyncadd.s32 $0xFFFFFFFF  }
0xa5: {  	s26 =	simm.s32 $execute0_lowered;
	[smem:$0x3FD2] =	sst s25  }
0xa6: {  	s4 =	sshll.u32 s26, $0x1;
	_ =	strace $0x80000049;
	[dreg:$0x1] =	wrdreg $0xFFFFFFFF  }
0xa7: {  	s28 =	simm.s32 $_size_execute0_lowered;
	s2 =	sadd.s32 s2, s4;
	[dreg:$0x0] =	wrdreg $0x0  }
0xa8: {  	s4 =	sshll.u32 s28, $0x1;
	[dreg:$0x2] =	wrdreg s2  }
0xa9: {  	[dreg:$0x3] =	wrdreg s4  }
0xaa: {  	[dreg:$0x4] =	wrdreg $0xC0  }
0xab: {  	_ =	task [dreg:s6], $0x5FFFF  }
0xac: {  	[dreg:$0x1] =	wrdreg $0xFFFFFFFF  }
0xad: {  	[dreg:$0x0] =	wrdreg $0x60  }
0xae: {  	[dreg:$0x2] =	wrdreg s24  }
0xaf: {  	[dreg:$0x3] =	wrdreg $0xB7800  }
0xb0: {  	[dreg:$0x4] =	wrdreg $0x9  }
0xb1: {  	_ =	task.clear_ibuf [dreg:s6], $0x5FFFF;
	_ =	strace $0x90000049  }
0xb2: {  	s29 =	simm.s32 $0x9;
	_ =	strace $0x8000004B  }
0xb3: {  	_ =	swait.ge [sflag:s29], $0x1  }
0xb4: {  	[sflag:s29] =	ssyncadd.s32 $0xFFFFFFFF  }
0xb5: {  	_ =	strace $0x9000004B  }
0xb6: {  	_ =	sfence  }
0xb7: {  	s30 =	sld [smem:$0x0];
	_ =	sdelay $0x2  }
0xb8: {  	s31 =	sshll.u32 s1, $0xD;
	s1 =	sshrl.u32 s1, $0x2  }
0xb9: {  	s3 =	sand.u32 $0x4000, s31;
	s1 =	sadd.s32 s1, s30  }
0xba: {  	s0 =	sor.u32 s3, s0;
	s1 =	sshll.u32 s1, $0x11  }
0xbb: {  	s0 =	sor.u32 s1, s0  }
0xbc: {  	s0 =	sadd.s32 $0x8F2B, s0  }
0xbd: {  	[sflag:s0] =	ssyncadd.remote.s32 $0x1  }
0xbe: {  	_ =	sfence.sel $0xFFFF  }
0xbf: {  	[dreg:$0x0] =	wrdreg $0xFFFFFFFF;
	(pc) =	sbr.abs _section_cstart, $3  }
0xc0: {  	[dreg:$0x1] =	wrdreg $0xFFFFFFFF  }
0xc1: {  	_ =	task.clear_ibuf [dreg:s6], $0x2FFFF;
	_ =	strace $0x9FFFFFFF  }
0xc2: {  	(tm) =	ssettm $0x7FFFFFFF  }
0xc3: {  	_ =	shalt  }
tec
execute0_lowered:
.L_overlay_start_1:
0x0: {  	(tag) =	ssettag $0x1  }
0x1: {  	s0 =	srdreg.scid;
	s6 =	rddreg [dreg:$0x0]  }
0x2: {  	s2 =	rddreg [dreg:$0x1];
	s3 =	simm.s32 $0x0;
	s14 =	simm.s32 $0x50  }
0x3: {  	s15 =	simm.s32 $0x6780;
	s16 =	simm.s32 $0x8F80;
	s17 =	simm.s32 $0x1  }
0x4: {  	s18 =	simm.s32 $0x6580;
	s5 =	sand.u32 $0x1, s0;
	s0 =	stileid.u32  }
0x5: {  	s20 =	simm.s32 $0x3;
	s21 =	simm.s32 $0x0;
	s9 =	smul.u32 $0x14000, s0  }
0x6: {  	[smem:$0x7FF] =	sst s3;
	s4 =	sadd.s32 $0x1DA00, s6;
	s10 =	smul.u32 $0x140000, s5  }
0x7: {  	s1 =	sshll.u32 s5, $0x4;
	s5 =	ssub.s32 $0x2, s5;
	s29 =	smul.u32 $0x50000, s0  }
0x8: {  	s19 =	sshll.u32 s0, $0x6;
	s7 =	sor.u32 s0, s1;
	s1 =	rddreg [dreg:$0x2]  }
0x9: {  	_ =	strace $0x8000004A;
	s30 =	sshrl.u32 s5, $0x1;
	s8 =	smul.u32 $0x4E2, s7  }
0xa: {  	s7 =	sshll.u32 s7, $0xB;
	s11 =	sshrl.u32 s9, $0x3;
	s9 =	sadd.s32 s9, s10  }
0xb: {  	s12 =	ssub.s32 s5, s30;
	s31 =	sshrl.u32 s29, $0x2;
	s7 =	sadd.s32 s7, s6  }
0xc: {  	s9 =	sshrl.u32 s9, $0x3;
	s11 =	sadd.s32 s11, s6;
	s13 =	sadd.s32 s31, s2  }
0xd: {  	s10 =	smax.u32 s12, $0x1;
	s8 =	sadd.s32 s8, s6;
	s9 =	sadd.s32 s9, s6  }
0xe: {  	s6 =	sadd.s32 $0xDA00, s7;
	s7 =	sadd.s32 $0x44C00, s11;
	s11 =	simm.s32 $0x2780  }
0xf: {  	s12 =	sshrl.u32 s13, $0x3;
	s13 =	simm.s32 $0x2;
	s5 =	sadd.s32 $0x2800, s8  }
0x10: {  	s8 =	sor.u32 $0x1C02, s19;
	s9 =	sadd.s32 $0x6CC00, s9;
	s19 =	sor.u32 $0x1C03, s19  }
.LBB2_1:
0x11: {  	[tilespmem:s3], [sflag:$0x1] =	stream.linear.gather [hbm4b:s5+s3], $0x2710, $0x38;
	[tilespmem:$0x1F780] =	vst v63  }
0x12: {  	_ = 	snop  }
0x13: {  	[tilespmem:s11], [sflag:$0x1] =	stream.linear.gather [hbm4b:s6+s3], $0x3E80, $0x38;
	[tilespmem:$0x1F780] =	vst v63  }
0x14: {  	[spmem:s12], [sflag:s8] =	dma.local [hbm:s7], $0x2800  }
0x15: {  	_ =	swait.ge [sflag:s17], $0x2710  }
0x16: {  	[sflag:s17] =	ssyncset.done $0x0  }
0x17: {  	[sflag:s17] =	ssyncadd.s32 $0xFFFFD8F0  }
0x18: {  	_ =	swait.ge [sflag:s17], $0x3E80  }
0x19: {  	[sflag:s17] =	ssyncset.done $0x0  }
0x1a: {  	[sflag:s17] =	ssyncadd.s32 $0xFFFFC180  }
0x1b: {  	_ =	swait.ge [sflag:s13], $0x2800  }
0x1c: {  	[sflag:s13] =	ssyncset.done $0x0  }
0x1d: {  	[sflag:s13] =	ssyncadd.s32 $0xFFFFD800  }
0x1e: {  	[bflag:$0x0] =	sbarrier.arrive $0xFFFF  }
0x1f: {  	[tilespmem:s15], [sflag:$0x1] =	stream.indirect.gather [hbm4b:s4+s14], $0x80, s3, s14, $0xb8;
	[tilespmem:$0x1F780] =	vst v63  }
0x20: {  	_ =	swait.ge [sflag:s17], $0x2800  }
0x21: {  	s22 =	simm.s32 $0xA0;
	[sflag:s17] =	ssyncset.done $0x0  }
0x22: {  	s24 =	simm.s32 $0x2800;
	s23 =	sand.u32 $0x1, s17;
	[sflag:s17] =	ssyncadd.s32 $0xFFFFD800  }
0x23: {  	[spmem:s2] =	stream.indirect.scatter.add.f32 [tilespmem:s15], [sflag:$0x2], $0x80, s11, s14, $0xb8;
	[tilespmem:$0x1F780] =	vst v63  }
0x24: {  	s25 =	simm.s32 $0x2;
	s26 =	sxor.u32 $0x1, s23;
	s28 =	smul.u32 $0xA000, s23  }
0x25: {  	[tilespmem:s16], [sflag:$0x1] =	stream.indirect.gather [hbm4b:s4+s14], $0x80, s14, s14, $0xb8;
	[tilespmem:$0x1F780] =	vst v63  }
0x26: {  	s23 =	sand.u32 $0x1, s25;
	s26 =	smul.u32 $0xA000, s26;
	_ =	swait.ge [sflag:s17], $0x2800  }
0x27: {  	s25 =	sxor.u32 $0x1, s23;
	s28 =	sshrl.u32 s28, $0x2;
	[sflag:s17] =	ssyncset.done $0x0  }
0x28: {  	s25 =	smul.u32 $0xA000, s25;
	s28 =	sadd.s32 $0x6780, s28;
	[sflag:s17] =	ssyncadd.s32 $0xFFFFD800  }
0x29: {  	[spmem:s2] =	stream.indirect.scatter.add.f32 [tilespmem:s28], [sflag:$0x2], $0x80, s24, s14, $0xb8;
	[tilespmem:$0x1F780] =	vst v63  }
0x2a: {  	s31 =	sshrl.u32 s26, $0x2;
	s26 =	sshrl.u32 s25, $0x2;
	_ =	swait.ge [sflag:s13], $0x2800  }
0x2b: {  	s25 =	simm.s32 $0x2880;
	s29 =	sadd.s32 $0x6780, s31;
	[sflag:s13] =	ssyncset.done $0x0  }
0x2c: {  	s28 =	simm.s32 $0x3;
	s24 =	simm.s32 $0xF0;
	[sflag:s13] =	ssyncadd.s32 $0xFFFFD800  }
.LBB2_2:
0x2d: {  	[tilespmem:s29], [sflag:$0x1] =	stream.indirect.gather [hbm4b:s4+s14], $0x80, s22, s14, $0xb8;
	[tilespmem:$0x1F780] =	vst v63  }
0x2e: {  	s29 =	smov.u32 s28;
	s30 =	smov.u32 s26;
	s22 =	smov.u32 s24  }
0x2f: {  	s31 =	sadd.s32 $0x1, s28;
	s26 =	smul.u32 $0xA000, s23;
	s23 =	sand.u32 $0x1, s29  }
0x30: {  	p0 =	sne.s32 s28, $0x7B;
	s29 =	sxor.u32 $0x1, s23;
	_ =	swait.ge [sflag:s17], $0x2800  }
0x31: {  	s26 =	sshrl.u32 s26, $0x2;
	s28 =	smul.u32 $0xA000, s29;
	[sflag:s17] =	ssyncset.done $0x0  }
.Ltmp0:
0x32: {  	s26 =	sadd.s32 $0x6780, s26;
	[sflag:s17] =	ssyncadd.s32 $0xFFFFD800;
	(pc) =	sbr.rel @p0 .LBB2_2-.Ltmp0, $4  }
0x33: {  	[spmem:s2] =	stream.indirect.scatter.add.f32 [tilespmem:s26], [sflag:$0x2], $0x80, s25, s14, $0xb8;
	[tilespmem:$0x1F780] =	vst v63  }
0x34: {  	s26 =	sshrl.u32 s28, $0x2;
	_ =	swait.ge [sflag:s13], $0x2800  }
0x35: {  	s24 =	sadd.s32 $0x50, s24;
	s25 =	sadd.s32 $0x80, s25;
	[sflag:s13] =	ssyncset.done $0x0  }
0x36: {  	s29 =	sadd.s32 $0x6780, s30;
	s28 =	smov.u32 s31;
	[sflag:s13] =	ssyncadd.s32 $0xFFFFD800  }
0x37: {  	[tilespmem:s29], [sflag:$0x1] =	stream.indirect.gather [hbm4b:s4+s14], $0x80, s22, s14, $0xb8;
	[tilespmem:$0x1F780] =	vst v63  }
0x38: {  	s30 =	smul.u32 $0xA000, s23  }
0x39: {  	_ =	swait.ge [sflag:s17], $0x2800  }
0x3a: {  	s22 =	sshrl.u32 s30, $0x2;
	[sflag:s17] =	ssyncset.done $0x0  }
0x3b: {  	s22 =	sadd.s32 $0x6780, s22;
	[sflag:s17] =	ssyncadd.s32 $0xFFFFD800  }
0x3c: {  	[spmem:s2] =	stream.indirect.scatter.add.f32 [tilespmem:s22], [sflag:$0x2], $0x80, s25, s14, $0xb8;
	[tilespmem:$0x1F780] =	vst v63  }
0x3d: {  	_ =	swait.ge [sflag:s13], $0x2800  }
0x3e: {  	[sflag:s13] =	ssyncset.done $0x0  }
0x3f: {  	s31 =	sadd.s32 $0x6780, s26;
	[sflag:s13] =	ssyncadd.s32 $0xFFFFD800  }
0x40: {  	[tilespmem:s31], [sflag:$0x1] =	stream.indirect.gather [hbm4b:s4+s14], $0x80, s24, s14, $0xb8;
	[tilespmem:$0x1F780] =	vst v63  }
0x41: {  	_ =	swait.ge [sflag:s17], $0x2800  }
0x42: {  	[sflag:s17] =	ssyncset.done $0x0  }
0x43: {  	[sflag:s17] =	ssyncadd.s32 $0xFFFFD800  }
0x44: {  	[spmem:s2] =	stream.indirect.scatter.add.f32 [tilespmem:s15], [sflag:$0x2], $0x80, s18, s14, $0xb8;
	[tilespmem:$0x1F780] =	vst v63  }
0x45: {  	_ =	swait.ge [sflag:s13], $0x2800  }
0x46: {  	[sflag:s13] =	ssyncset.done $0x0  }
0x47: {  	[sflag:s13] =	ssyncadd.s32 $0xFFFFD800  }
0x48: {  	_ =	swait.ge [sflag:s13], $0x2800  }
0x49: {  	s21 =	sadd.s32 $0x1, s21;
	[sflag:s13] =	ssyncset.done $0x0  }
0x4a: {  	p0 =	sne.s32 s21, s10;
	[sflag:s13] =	ssyncadd.s32 $0xFFFFD800  }
.Ltmp1:
0x4b: {  	[bflag:$0x0] =	sbarrier.arrive $0xFFFF;
	(pc) =	sbr.rel @p0 .LBB2_1-.Ltmp1, $4  }
0x4c: {  	[hbm:s9], [sflag:s19] =	dma.local [spmem:s12], $0x2800  }
0x4d: {  	_ =	swait.ge [sflag:s20], $0x2800  }
0x4e: {  	[sflag:s20] =	ssyncset.done $0x0  }
0x4f: {  	[sflag:s20] =	ssyncadd.s32 $0xFFFFD800  }
0x50: {  	_ =	sfence.sel $0x180000  }
0x51: {  	[bflag:$0x0] =	sbarrier.arrive $0xFFFF  }
0x52: {  	p0 =	sne.s32 s0, $0x0;
	_ =	strace $0x9000004A  }
0x53: {  	s0 =	sadd.s32 @!p0 $0x100000, s1;
	[bflag:$0x2] =	sbarrier.arrive $0xFFFF  }
0x54: {  	[sflag:s0] =	ssyncadd.tile.s32 @!p0 $0x1;
	_ =	shalt  }
.Lfunc_end2:
_tile_overlayer_lowered:
.L_overlay_start_2:
0x55: {  	(tag) =	ssettag $0x2  }
0x56: {  	s0 =	rddreg [dreg:$0x0];
	s2 =	stileid.u32  }
0x57: {  	s1 =	rddreg [dreg:$0x1];
	p0 =	sne.s32 s2, $0x0  }
0x58: {  	s3 =	rddreg [dreg:$0x2];
	[bflag:$0x3] =	sbarrier.arrive $0xFFFF;
	s2 =	simm.s32 @!p0 $0x1C03  }
0x59: {  	[timem:s3], [sflag:s2] =	dma.local @!p0 [hbm:s0], s1  }
0x5a: {  	s0 =	simm.s32 @!p0 $0x3  }
0x5b: {  	_ =	swait.ge @!p0 [sflag:s0], s1  }
0x5c: {  	s1 =	ssub.s32 @!p0 $0x0, s1;
	[sflag:s0] =	ssyncset.done @!p0 $0x0  }
0x5d: {  	[sflag:s0] =	ssyncadd.s32 @!p0 s1  }
0x5e: {  	[bflag:$0x3] =	sbarrier.arrive $0xFFFF  }
0x5f: {  	_ =	shalt  }

// kernel: kernel.16.cloned.1.call-start
scs
__scs_entry_jumppad:
0x0: {  	(pc) =	sbr.rel $0x88, $3  }
0x1: {  	(tag) =	ssettag $0x0;
	lr =	simm.s32 $0x1  }
0x2: {  	[smem:$0x3F99] =	sst lr;
	_ =	strace $0xD0000000  }
0x3: {  	_ = 	snop  }
0x4: {  	_ = 	snop  }
0x5: {  	_ = 	snop  }
0x6: {  	_ = 	snop  }
0x7: {  	_ = 	snop  }
__scs_overlays_trampoline_lowered:
0x8: {  	[smem:$0x3FA8] =	sst s0  }
0x9: {  	[smem:$0x3FA9] =	sst s1  }
0xa: {  	[smem:$0x3FAA] =	sst s2  }
0xb: {  	[smem:$0x3FAB] =	sst s3  }
0xc: {  	[smem:$0x3FAC] =	sst s4  }
0xd: {  	[smem:$0x3FAD] =	sst s5  }
0xe: {  	[smem:$0x3FAE] =	sst s6  }
0xf: {  	[smem:$0x3FAF] =	sst s7  }
0x10: {  	[smem:$0x3FB0] =	sst s8  }
0x11: {  	[smem:$0x3FB1] =	sst s9;
	s0 =	simm.s32 @!p0 $0x0  }
0x12: {  	s1 =	sld [smem:$0x3F97];
	s0 =	simm.s32 @p0 $0x1  }
0x13: {  	[smem:$0x3FB2] =	sst s0;
	s0 =	simm.s32 @!p1 $0x0  }
0x14: {  	s2 =	sld [smem:$0x3F96];
	s0 =	simm.s32 @p1 $0x1  }
0x15: {  	[smem:$0x3FB3] =	sst s0;
	s0 =	simm.s32 @!p2 $0x0  }
0x16: {  	s3 =	sld [smem:$0x3FDB];
	s0 =	simm.s32 @p2 $0x1  }
0x17: {  	s4 =	simm.s32 $0x1BF5;
	[smem:$0x3FB5] =	sst s0  }
0x18: {  	s0 =	sld [smem:$0x3F98];
	_ =	swait.ge [sflag:s4], $0x0  }
0x19: {  	s7 =	sld [smem:$0x3F99]  }
0x1a: {  	s8 =	sadd.s32 $0xFFFFE003, lr  }
0x1b: {  	s9 =	sadd.s32 $0xFFFFFEF7, lr;
	s5 =	simm.s32 $0xFFFFFFFF;
	p2 =	slt.u32 s8, $0xFFFFF086  }
0x1c: {  	p1 =	slt.u32 s9, $0xF7A;
	s5 =	simm.s32 @!p2 $0x0  }
0x1d: {  	s5 =	simm.s32 @p1 $0x1;
	p0 =	seq.s32 s7, s2  }
0x1e: {  	s7 =	smul.u32 @!p0 $0xF7A, s2;
	p2 =	seq.s32 @!p0 s5, $0x0  }
0x1f: {  	s9 =	smul.u32 $0xF7A, s1;
	s8 =	simm.s32 @!p0 $0x1BF5;
	p2 =	por !p2, p0  }
0x20: {  	[sflag:s8] =	ssyncset.s32 @!p0 $0xFFFFF086;
	s6 =	sadd.s32 @!p0 s3, s7;
	s7 =	simm.s32 @!p0 $0x108  }
0x21: {  	s3 =	sadd.s32 s3, s9;
	s6 =	sadd.s32 @!p0 $0x88, s6;
	s7 =	simm.s32 @p2 $0x1082  }
0x22: {  	[simem:s7], [sflag:s8] =	dma.local @!p0 [hbm:s6], $0xF7A  }
0x23: {  	s9 =	sor.u32 $0xD0000000, s2;
	s6 =	simm.s32 $0x108;
	_ =	swait.ge @!p0 [sflag:s8], $0x0  }
0x24: {  	s3 =	sadd.s32 $0x88, s3;
	s6 =	simm.s32 @!p1 $0x1082;
	[sflag:s4] =	ssyncset.s32 $0xFFFFF086  }
0x25: {  	[simem:s6], [sflag:s4] =	dma.local [hbm:s3], $0xF7A  }
0x26: {  	[smem:$0x3F99] =	sst s1;
	(tag) =	ssettag s2;
	_ =	strace s9  }
0x27: {  	s1 =	sld [smem:$0x3FA9]  }
0x28: {  	s2 =	sld [smem:$0x3FAA]  }
0x29: {  	s4 =	sld [smem:$0x3FAC]  }
0x2a: {  	p0 =	seq.s32 s5, $0x0;
	s5 =	sld [smem:$0x3FAD]  }
0x2b: {  	s6 =	sld [smem:$0x3FAE]  }
0x2c: {  	s7 =	sld [smem:$0x3FAF]  }
0x2d: {  	s3 =	simm.s32 $0x108;
	s8 =	sld [smem:$0x3FB0]  }
0x2e: {  	s3 =	simm.s32 @!p0 $0x1082;
	s9 =	sld [smem:$0x3FB1]  }
0x2f: {  	lr =	sadd.s32 s0, s3;
	s0 =	sld [smem:$0x3FA8]  }
0x30: {  	s3 =	sld [smem:$0x3FAB]  }
0x31: {  	[smem:$0x3FB4] =	sst s10  }
0x32: {  	s10 =	sld [smem:$0x3FB2];
	_ =	sdelay $0x3  }
0x33: {  	p0 =	seq.s32 s10, $0x1;
	s10 =	sld [smem:$0x3FB4];
	_ =	sdelay $0x3  }
0x34: {  	[smem:$0x3FB4] =	sst s10  }
0x35: {  	s10 =	sld [smem:$0x3FB3];
	_ =	sdelay $0x3  }
0x36: {  	p1 =	seq.s32 s10, $0x1;
	s10 =	sld [smem:$0x3FB4];
	_ =	sdelay $0x3  }
0x37: {  	[smem:$0x3FB4] =	sst s10  }
0x38: {  	s10 =	sld [smem:$0x3FB5]  }
0x39: {  	_ = 	snop;
	(pc) =	sbr.ind lr, $3  }
0x3a: {  	_ = 	snop  }
0x3b: {  	_ = 	snop  }
0x3c: {  	p2 =	seq.s32 s10, $0x1;
	s10 =	sld [smem:$0x3FB4]  }
0x3d: {  	_ =	shalt  }
0x3e: {  	_ =	shalt  }
0x3f: {  	_ =	shalt  }
0x40: {  	_ =	shalt  }
0x41: {  	_ =	shalt  }
0x42: {  	_ =	shalt  }
0x43: {  	_ =	shalt  }
0x44: {  	_ =	shalt  }
0x45: {  	_ =	shalt  }
0x46: {  	_ =	shalt  }
0x47: {  	_ =	shalt  }
0x48: {  	_ =	shalt  }
0x49: {  	_ =	shalt  }
0x4a: {  	_ =	shalt  }
0x4b: {  	_ =	shalt  }
0x4c: {  	_ =	shalt  }
0x4d: {  	_ =	shalt  }
0x4e: {  	_ =	shalt  }
0x4f: {  	_ =	shalt  }
0x50: {  	_ =	shalt  }
0x51: {  	_ =	shalt  }
0x52: {  	_ =	shalt  }
0x53: {  	_ =	shalt  }
0x54: {  	_ =	shalt  }
0x55: {  	_ =	shalt  }
0x56: {  	_ =	shalt  }
0x57: {  	_ =	shalt  }
0x58: {  	_ =	shalt  }
0x59: {  	_ =	shalt  }
0x5a: {  	_ =	shalt  }
0x5b: {  	_ =	shalt  }
0x5c: {  	_ =	shalt  }
0x5d: {  	_ =	shalt  }
0x5e: {  	_ =	shalt  }
0x5f: {  	_ =	shalt  }
0x60: {  	_ =	shalt  }
0x61: {  	_ =	shalt  }
0x62: {  	_ =	shalt  }
0x63: {  	_ =	shalt  }
0x64: {  	_ =	shalt  }
0x65: {  	_ =	shalt  }
0x66: {  	_ =	shalt  }
0x67: {  	_ =	shalt  }
0x68: {  	_ =	shalt  }
0x69: {  	_ =	shalt  }
0x6a: {  	_ =	shalt  }
0x6b: {  	_ =	shalt  }
0x6c: {  	_ =	shalt  }
0x6d: {  	_ =	shalt  }
0x6e: {  	_ =	shalt  }
0x6f: {  	_ =	shalt  }
0x70: {  	_ =	shalt  }
0x71: {  	_ =	shalt  }
0x72: {  	_ =	shalt  }
0x73: {  	_ =	shalt  }
0x74: {  	_ =	shalt  }
0x75: {  	_ =	shalt  }
0x76: {  	_ =	shalt  }
0x77: {  	_ =	shalt  }
0x78: {  	_ =	shalt  }
0x79: {  	_ =	shalt  }
0x7a: {  	_ =	shalt  }
0x7b: {  	_ =	shalt  }
0x7c: {  	_ =	shalt  }
0x7d: {  	_ =	shalt  }
0x7e: {  	_ =	shalt  }
0x7f: {  	_ =	shalt  }
0x80: {  	_ =	shalt  }
0x81: {  	_ =	shalt  }
0x82: {  	_ =	shalt  }
0x83: {  	_ =	shalt  }
0x84: {  	_ =	shalt  }
0x85: {  	_ =	shalt  }
0x86: {  	_ =	shalt  }
0x87: {  	_ =	shalt  }
.Lfunc_end0:
.L_simem_size_0:
called_computation.2_lowered:
.L_overlay_start_0:
0x88: {  	s2 =	sld [smem:$0x3FD9]  }
0x89: {  	s3 =	sld [smem:$0x3FFE];
	_ =	sdelay $0x1  }
0x8a: {  	s1 =	srdreg.scid  }
0x8b: {  	s0 =	sand.u32 $0x1, s1  }
0x8c: {  	s16 =	sshll.u32 s0, $0xA;
	s2 =	sadd.s32 s3, s2  }
0x8d: {  	s2 =	sadd.s32 s2, s16  }
0x8e: {  	[smem:$0x3FC0] =	sst s2  }
0x8f: {  	_ = 	snop  }
0x90: {  	(tm) =	ssettm $0x1  }
0x91: {  	s17 =	sld [smem:$0x3FFB];
	_ =	sdelay $0x3  }
0x92: {  	_ =	strace s17  }
0x93: {  	s2 =	sld [smem:$0x3FFC];
	_ =	sdelay $0x3  }
0x94: {  	_ =	strace s2  }
0x95: {  	s2 =	sld [smem:$0x3FFD];
	_ =	sdelay $0x3  }
0x96: {  	_ =	strace s2  }
0x97: {  	_ =	strace $0x8FFFFFFF  }
0x98: {  	s18 =	sld [smem:$0x3FDB];
	_ =	sdelay $0x1  }
0x99: {  	s19 =	simm.s32 $_scs_section_size  }
0x9a: {  	s4 =	simm.s32 $_size__tile_overlayer_lowered;
	s5 =	simm.s32 $_tile_overlayer_lowered  }
0x9b: {  	s22 =	simm.s32 $0x1BFF;
	s21 =	sshll.u32 s5, $0x1;
	s2 =	sadd.s32 s19, s18  }
0x9c: {  	s6 =	simm.s32 $0x0;
	s20 =	sshll.u32 s4, $0x1;
	s4 =	sadd.s32 s21, s2  }
0x9d: {  	[timem:s6], [sflag:s22] =	dma.local [hbm:s4], s20  }
0x9e: {  	_ =	swait.ge [sflag:s22], s20  }
0x9f: {  	s3 =	ssub.s32 $0x0, s20;
	[sflag:s22] =	ssyncset.done $0x0  }
0xa0: {  	[sflag:s22] =	ssyncadd.s32 s3;
	_ =	sdelay $0x1  }
0xa1: {  	s23 =	simm.s32 $0x1B8B  }
0xa2: {  	_ =	swait.ge [sflag:s23], $0x1  }
0xa3: {  	[sflag:s23] =	ssyncset.done $0x0  }
0xa4: {  	s25 =	simm.s32 $0x1B8E;
	s24 =	sld [smem:$0x3FFE];
	[sflag:s23] =	ssyncadd.s32 $0xFFFFFFFF  }
0xa5: {  	s26 =	simm.s32 $execute0_lowered;
	[smem:$0x3FD2] =	sst s25  }
0xa6: {  	s4 =	sshll.u32 s26, $0x1;
	_ =	strace $0x8000004C;
	[dreg:$0x1] =	wrdreg $0xFFFFFFFF  }
0xa7: {  	s28 =	simm.s32 $_size_execute0_lowered;
	s2 =	sadd.s32 s2, s4;
	[dreg:$0x0] =	wrdreg $0x0  }
0xa8: {  	s4 =	sshll.u32 s28, $0x1;
	[dreg:$0x2] =	wrdreg s2  }
0xa9: {  	[dreg:$0x3] =	wrdreg s4  }
0xaa: {  	[dreg:$0x4] =	wrdreg $0xC0  }
0xab: {  	_ =	task [dreg:s6], $0x5FFFF  }
0xac: {  	[dreg:$0x1] =	wrdreg $0xFFFFFFFF  }
0xad: {  	[dreg:$0x0] =	wrdreg $0x60  }
0xae: {  	[dreg:$0x2] =	wrdreg s24  }
0xaf: {  	[dreg:$0x3] =	wrdreg $0xB7800  }
0xb0: {  	[dreg:$0x4] =	wrdreg $0x9  }
0xb1: {  	_ =	task.clear_ibuf [dreg:s6], $0x5FFFF;
	_ =	strace $0x9000004C  }
0xb2: {  	s29 =	simm.s32 $0x9;
	_ =	strace $0x8000004E  }
0xb3: {  	_ =	swait.ge [sflag:s29], $0x1  }
0xb4: {  	[sflag:s29] =	ssyncadd.s32 $0xFFFFFFFF  }
0xb5: {  	_ =	strace $0x9000004E  }
0xb6: {  	_ =	sfence  }
0xb7: {  	s30 =	sld [smem:$0x0];
	_ =	sdelay $0x2  }
0xb8: {  	s31 =	sshll.u32 s1, $0xD;
	s1 =	sshrl.u32 s1, $0x2  }
0xb9: {  	s3 =	sand.u32 $0x4000, s31;
	s1 =	sadd.s32 s1, s30  }
0xba: {  	s0 =	sor.u32 s3, s0;
	s1 =	sshll.u32 s1, $0x11  }
0xbb: {  	s0 =	sor.u32 s1, s0  }
0xbc: {  	s0 =	sadd.s32 $0x8F2B, s0  }
0xbd: {  	[sflag:s0] =	ssyncadd.remote.s32 $0x1  }
0xbe: {  	_ =	sfence.sel $0xFFFF  }
0xbf: {  	[dreg:$0x0] =	wrdreg $0xFFFFFFFF;
	(pc) =	sbr.abs _section_cstart, $3  }
0xc0: {  	[dreg:$0x1] =	wrdreg $0xFFFFFFFF  }
0xc1: {  	_ =	task.clear_ibuf [dreg:s6], $0x2FFFF;
	_ =	strace $0x9FFFFFFF  }
0xc2: {  	(tm) =	ssettm $0x7FFFFFFF  }
0xc3: {  	_ =	shalt  }
tec
execute0_lowered:
.L_overlay_start_1:
0x0: {  	(tag) =	ssettag $0x1  }
0x1: {  	s0 =	srdreg.scid;
	s6 =	rddreg [dreg:$0x0]  }
0x2: {  	s2 =	rddreg [dreg:$0x1];
	s3 =	simm.s32 $0x0;
	s14 =	simm.s32 $0x50  }
0x3: {  	s15 =	simm.s32 $0x6780;
	s16 =	simm.s32 $0x8F80;
	s17 =	simm.s32 $0x1  }
0x4: {  	s18 =	simm.s32 $0x6580;
	s5 =	sand.u32 $0x1, s0;
	s0 =	stileid.u32  }
0x5: {  	s20 =	simm.s32 $0x3;
	s21 =	simm.s32 $0x0;
	s9 =	smul.u32 $0x14000, s0  }
0x6: {  	[smem:$0x7FF] =	sst s3;
	s4 =	sadd.s32 $0x1DA00, s6;
	s10 =	smul.u32 $0x140000, s5  }
0x7: {  	s1 =	sshll.u32 s5, $0x4;
	s5 =	ssub.s32 $0x2, s5;
	s29 =	smul.u32 $0x50000, s0  }
0x8: {  	s19 =	sshll.u32 s0, $0x6;
	s7 =	sor.u32 s0, s1;
	s1 =	rddreg [dreg:$0x2]  }
0x9: {  	_ =	strace $0x8000004D;
	s30 =	sshrl.u32 s5, $0x1;
	s8 =	smul.u32 $0x4E2, s7  }
0xa: {  	s7 =	sshll.u32 s7, $0xB;
	s11 =	sshrl.u32 s9, $0x3;
	s9 =	sadd.s32 s9, s10  }
0xb: {  	s12 =	ssub.s32 s5, s30;
	s31 =	sshrl.u32 s29, $0x2;
	s7 =	sadd.s32 s7, s6  }
0xc: {  	s9 =	sshrl.u32 s9, $0x3;
	s11 =	sadd.s32 s11, s6;
	s13 =	sadd.s32 s31, s2  }
0xd: {  	s10 =	smax.u32 s12, $0x1;
	s8 =	sadd.s32 s8, s6;
	s9 =	sadd.s32 s9, s6  }
0xe: {  	s6 =	sadd.s32 $0xDA00, s7;
	s7 =	sadd.s32 $0x44C00, s11;
	s11 =	simm.s32 $0x2780  }
0xf: {  	s12 =	sshrl.u32 s13, $0x3;
	s13 =	simm.s32 $0x2;
	s5 =	sadd.s32 $0x2800, s8  }
0x10: {  	s8 =	sor.u32 $0x1C02, s19;
	s9 =	sadd.s32 $0x6CC00, s9;
	s19 =	sor.u32 $0x1C03, s19  }
.LBB2_1:
0x11: {  	[tilespmem:s3], [sflag:$0x1] =	stream.linear.gather [hbm4b:s5+s3], $0x2710, $0x38;
	[tilespmem:$0x1F780] =	vst v63  }
0x12: {  	_ = 	snop  }
0x13: {  	[tilespmem:s11], [sflag:$0x1] =	stream.linear.gather [hbm4b:s6+s3], $0x3E80, $0x38;
	[tilespmem:$0x1F780] =	vst v63  }
0x14: {  	[spmem:s12], [sflag:s8] =	dma.local [hbm:s7], $0x2800  }
0x15: {  	_ =	swait.ge [sflag:s17], $0x2710  }
0x16: {  	[sflag:s17] =	ssyncset.done $0x0  }
0x17: {  	[sflag:s17] =	ssyncadd.s32 $0xFFFFD8F0  }
0x18: {  	_ =	swait.ge [sflag:s17], $0x3E80  }
0x19: {  	[sflag:s17] =	ssyncset.done $0x0  }
0x1a: {  	[sflag:s17] =	ssyncadd.s32 $0xFFFFC180  }
0x1b: {  	_ =	swait.ge [sflag:s13], $0x2800  }
0x1c: {  	[sflag:s13] =	ssyncset.done $0x0  }
0x1d: {  	[sflag:s13] =	ssyncadd.s32 $0xFFFFD800  }
0x1e: {  	[bflag:$0x0] =	sbarrier.arrive $0xFFFF  }
0x1f: {  	[tilespmem:s15], [sflag:$0x1] =	stream.indirect.gather [hbm4b:s4+s14], $0x80, s3, s14, $0xb8;
	[tilespmem:$0x1F780] =	vst v63  }
0x20: {  	_ =	swait.ge [sflag:s17], $0x2800  }
0x21: {  	s22 =	simm.s32 $0xA0;
	[sflag:s17] =	ssyncset.done $0x0  }
0x22: {  	s24 =	simm.s32 $0x2800;
	s23 =	sand.u32 $0x1, s17;
	[sflag:s17] =	ssyncadd.s32 $0xFFFFD800  }
0x23: {  	[spmem:s2] =	stream.indirect.scatter.add.f32 [tilespmem:s15], [sflag:$0x2], $0x80, s11, s14, $0xb8;
	[tilespmem:$0x1F780] =	vst v63  }
0x24: {  	s25 =	simm.s32 $0x2;
	s26 =	sxor.u32 $0x1, s23;
	s28 =	smul.u32 $0xA000, s23  }
0x25: {  	[tilespmem:s16], [sflag:$0x1] =	stream.indirect.gather [hbm4b:s4+s14], $0x80, s14, s14, $0xb8;
	[tilespmem:$0x1F780] =	vst v63  }
0x26: {  	s23 =	sand.u32 $0x1, s25;
	s26 =	smul.u32 $0xA000, s26;
	_ =	swait.ge [sflag:s17], $0x2800  }
0x27: {  	s25 =	sxor.u32 $0x1, s23;
	s28 =	sshrl.u32 s28, $0x2;
	[sflag:s17] =	ssyncset.done $0x0  }
0x28: {  	s25 =	smul.u32 $0xA000, s25;
	s28 =	sadd.s32 $0x6780, s28;
	[sflag:s17] =	ssyncadd.s32 $0xFFFFD800  }
0x29: {  	[spmem:s2] =	stream.indirect.scatter.add.f32 [tilespmem:s28], [sflag:$0x2], $0x80, s24, s14, $0xb8;
	[tilespmem:$0x1F780] =	vst v63  }
0x2a: {  	s31 =	sshrl.u32 s26, $0x2;
	s26 =	sshrl.u32 s25, $0x2;
	_ =	swait.ge [sflag:s13], $0x2800  }
0x2b: {  	s25 =	simm.s32 $0x2880;
	s29 =	sadd.s32 $0x6780, s31;
	[sflag:s13] =	ssyncset.done $0x0  }
0x2c: {  	s28 =	simm.s32 $0x3;
	s24 =	simm.s32 $0xF0;
	[sflag:s13] =	ssyncadd.s32 $0xFFFFD800  }
.LBB2_2:
0x2d: {  	[tilespmem:s29], [sflag:$0x1] =	stream.indirect.gather [hbm4b:s4+s14], $0x80, s22, s14, $0xb8;
	[tilespmem:$0x1F780] =	vst v63  }
0x2e: {  	s29 =	smov.u32 s28;
	s30 =	smov.u32 s26;
	s22 =	smov.u32 s24  }
0x2f: {  	s31 =	sadd.s32 $0x1, s28;
	s26 =	smul.u32 $0xA000, s23;
	s23 =	sand.u32 $0x1, s29  }
0x30: {  	p0 =	sne.s32 s28, $0x7B;
	s29 =	sxor.u32 $0x1, s23;
	_ =	swait.ge [sflag:s17], $0x2800  }
0x31: {  	s26 =	sshrl.u32 s26, $0x2;
	s28 =	smul.u32 $0xA000, s29;
	[sflag:s17] =	ssyncset.done $0x0  }
.Ltmp0:
0x32: {  	s26 =	sadd.s32 $0x6780, s26;
	[sflag:s17] =	ssyncadd.s32 $0xFFFFD800;
	(pc) =	sbr.rel @p0 .LBB2_2-.Ltmp0, $4  }
0x33: {  	[spmem:s2] =	stream.indirect.scatter.add.f32 [tilespmem:s26], [sflag:$0x2], $0x80, s25, s14, $0xb8;
	[tilespmem:$0x1F780] =	vst v63  }
0x34: {  	s26 =	sshrl.u32 s28, $0x2;
	_ =	swait.ge [sflag:s13], $0x2800  }
0x35: {  	s24 =	sadd.s32 $0x50, s24;
	s25 =	sadd.s32 $0x80, s25;
	[sflag:s13] =	ssyncset.done $0x0  }
0x36: {  	s29 =	sadd.s32 $0x6780, s30;
	s28 =	smov.u32 s31;
	[sflag:s13] =	ssyncadd.s32 $0xFFFFD800  }
0x37: {  	[tilespmem:s29], [sflag:$0x1] =	stream.indirect.gather [hbm4b:s4+s14], $0x80, s22, s14, $0xb8;
	[tilespmem:$0x1F780] =	vst v63  }
0x38: {  	s30 =	smul.u32 $0xA000, s23  }
0x39: {  	_ =	swait.ge [sflag:s17], $0x2800  }
0x3a: {  	s22 =	sshrl.u32 s30, $0x2;
	[sflag:s17] =	ssyncset.done $0x0  }
0x3b: {  	s22 =	sadd.s32 $0x6780, s22;
	[sflag:s17] =	ssyncadd.s32 $0xFFFFD800  }
0x3c: {  	[spmem:s2] =	stream.indirect.scatter.add.f32 [tilespmem:s22], [sflag:$0x2], $0x80, s25, s14, $0xb8;
	[tilespmem:$0x1F780] =	vst v63  }
0x3d: {  	_ =	swait.ge [sflag:s13], $0x2800  }
0x3e: {  	[sflag:s13] =	ssyncset.done $0x0  }
0x3f: {  	s31 =	sadd.s32 $0x6780, s26;
	[sflag:s13] =	ssyncadd.s32 $0xFFFFD800  }
0x40: {  	[tilespmem:s31], [sflag:$0x1] =	stream.indirect.gather [hbm4b:s4+s14], $0x80, s24, s14, $0xb8;
	[tilespmem:$0x1F780] =	vst v63  }
0x41: {  	_ =	swait.ge [sflag:s17], $0x2800  }
0x42: {  	[sflag:s17] =	ssyncset.done $0x0  }
0x43: {  	[sflag:s17] =	ssyncadd.s32 $0xFFFFD800  }
0x44: {  	[spmem:s2] =	stream.indirect.scatter.add.f32 [tilespmem:s15], [sflag:$0x2], $0x80, s18, s14, $0xb8;
	[tilespmem:$0x1F780] =	vst v63  }
0x45: {  	_ =	swait.ge [sflag:s13], $0x2800  }
0x46: {  	[sflag:s13] =	ssyncset.done $0x0  }
0x47: {  	[sflag:s13] =	ssyncadd.s32 $0xFFFFD800  }
0x48: {  	_ =	swait.ge [sflag:s13], $0x2800  }
0x49: {  	s21 =	sadd.s32 $0x1, s21;
	[sflag:s13] =	ssyncset.done $0x0  }
0x4a: {  	p0 =	sne.s32 s21, s10;
	[sflag:s13] =	ssyncadd.s32 $0xFFFFD800  }
.Ltmp1:
0x4b: {  	[bflag:$0x0] =	sbarrier.arrive $0xFFFF;
	(pc) =	sbr.rel @p0 .LBB2_1-.Ltmp1, $4  }
0x4c: {  	[hbm:s9], [sflag:s19] =	dma.local [spmem:s12], $0x2800  }
0x4d: {  	_ =	swait.ge [sflag:s20], $0x2800  }
0x4e: {  	[sflag:s20] =	ssyncset.done $0x0  }
0x4f: {  	[sflag:s20] =	ssyncadd.s32 $0xFFFFD800  }
0x50: {  	_ =	sfence.sel $0x180000  }
0x51: {  	[bflag:$0x0] =	sbarrier.arrive $0xFFFF  }
0x52: {  	p0 =	sne.s32 s0, $0x0;
	_ =	strace $0x9000004D  }
0x53: {  	s0 =	sadd.s32 @!p0 $0x100000, s1;
	[bflag:$0x2] =	sbarrier.arrive $0xFFFF  }
0x54: {  	[sflag:s0] =	ssyncadd.tile.s32 @!p0 $0x1;
	_ =	shalt  }
.Lfunc_end2:
_tile_overlayer_lowered:
.L_overlay_start_2:
0x55: {  	(tag) =	ssettag $0x2  }
0x56: {  	s0 =	rddreg [dreg:$0x0];
	s2 =	stileid.u32  }
0x57: {  	s1 =	rddreg [dreg:$0x1];
	p0 =	sne.s32 s2, $0x0  }
0x58: {  	s3 =	rddreg [dreg:$0x2];
	[bflag:$0x3] =	sbarrier.arrive $0xFFFF;
	s2 =	simm.s32 @!p0 $0x1C03  }
0x59: {  	[timem:s3], [sflag:s2] =	dma.local @!p0 [hbm:s0], s1  }
0x5a: {  	s0 =	simm.s32 @!p0 $0x3  }
0x5b: {  	_ =	swait.ge @!p0 [sflag:s0], s1  }
0x5c: {  	s1 =	ssub.s32 @!p0 $0x0, s1;
	[sflag:s0] =	ssyncset.done @!p0 $0x0  }
0x5d: {  	[sflag:s0] =	ssyncadd.s32 @!p0 s1  }
0x5e: {  	[bflag:$0x3] =	sbarrier.arrive $0xFFFF  }
0x5f: {  	_ =	shalt  }

// kernel: kernel.19.cloned.1.call-start
scs
__scs_entry_jumppad:
0x0: {  	(pc) =	sbr.rel $0x88, $3  }
0x1: {  	(tag) =	ssettag $0x0;
	lr =	simm.s32 $0x1  }
0x2: {  	[smem:$0x3F99] =	sst lr;
	_ =	strace $0xD0000000  }
0x3: {  	_ = 	snop  }
0x4: {  	_ = 	snop  }
0x5: {  	_ = 	snop  }
0x6: {  	_ = 	snop  }
0x7: {  	_ = 	snop  }
__scs_overlays_trampoline_lowered:
0x8: {  	[smem:$0x3FA8] =	sst s0  }
0x9: {  	[smem:$0x3FA9] =	sst s1  }
0xa: {  	[smem:$0x3FAA] =	sst s2  }
0xb: {  	[smem:$0x3FAB] =	sst s3  }
0xc: {  	[smem:$0x3FAC] =	sst s4  }
0xd: {  	[smem:$0x3FAD] =	sst s5  }
0xe: {  	[smem:$0x3FAE] =	sst s6  }
0xf: {  	[smem:$0x3FAF] =	sst s7  }
0x10: {  	[smem:$0x3FB0] =	sst s8  }
0x11: {  	[smem:$0x3FB1] =	sst s9;
	s0 =	simm.s32 @!p0 $0x0  }
0x12: {  	s1 =	sld [smem:$0x3F97];
	s0 =	simm.s32 @p0 $0x1  }
0x13: {  	[smem:$0x3FB2] =	sst s0;
	s0 =	simm.s32 @!p1 $0x0  }
0x14: {  	s2 =	sld [smem:$0x3F96];
	s0 =	simm.s32 @p1 $0x1  }
0x15: {  	[smem:$0x3FB3] =	sst s0;
	s0 =	simm.s32 @!p2 $0x0  }
0x16: {  	s3 =	sld [smem:$0x3FDB];
	s0 =	simm.s32 @p2 $0x1  }
0x17: {  	s4 =	simm.s32 $0x1BF5;
	[smem:$0x3FB5] =	sst s0  }
0x18: {  	s0 =	sld [smem:$0x3F98];
	_ =	swait.ge [sflag:s4], $0x0  }
0x19: {  	s7 =	sld [smem:$0x3F99]  }
0x1a: {  	s8 =	sadd.s32 $0xFFFFE003, lr  }
0x1b: {  	s9 =	sadd.s32 $0xFFFFFEF7, lr;
	s5 =	simm.s32 $0xFFFFFFFF;
	p2 =	slt.u32 s8, $0xFFFFF086  }
0x1c: {  	p1 =	slt.u32 s9, $0xF7A;
	s5 =	simm.s32 @!p2 $0x0  }
0x1d: {  	s5 =	simm.s32 @p1 $0x1;
	p0 =	seq.s32 s7, s2  }
0x1e: {  	s7 =	smul.u32 @!p0 $0xF7A, s2;
	p2 =	seq.s32 @!p0 s5, $0x0  }
0x1f: {  	s9 =	smul.u32 $0xF7A, s1;
	s8 =	simm.s32 @!p0 $0x1BF5;
	p2 =	por !p2, p0  }
0x20: {  	[sflag:s8] =	ssyncset.s32 @!p0 $0xFFFFF086;
	s6 =	sadd.s32 @!p0 s3, s7;
	s7 =	simm.s32 @!p0 $0x108  }
0x21: {  	s3 =	sadd.s32 s3, s9;
	s6 =	sadd.s32 @!p0 $0x88, s6;
	s7 =	simm.s32 @p2 $0x1082  }
0x22: {  	[simem:s7], [sflag:s8] =	dma.local @!p0 [hbm:s6], $0xF7A  }
0x23: {  	s9 =	sor.u32 $0xD0000000, s2;
	s6 =	simm.s32 $0x108;
	_ =	swait.ge @!p0 [sflag:s8], $0x0  }
0x24: {  	s3 =	sadd.s32 $0x88, s3;
	s6 =	simm.s32 @!p1 $0x1082;
	[sflag:s4] =	ssyncset.s32 $0xFFFFF086  }
0x25: {  	[simem:s6], [sflag:s4] =	dma.local [hbm:s3], $0xF7A  }
0x26: {  	[smem:$0x3F99] =	sst s1;
	(tag) =	ssettag s2;
	_ =	strace s9  }
0x27: {  	s1 =	sld [smem:$0x3FA9]  }
0x28: {  	s2 =	sld [smem:$0x3FAA]  }
0x29: {  	s4 =	sld [smem:$0x3FAC]  }
0x2a: {  	p0 =	seq.s32 s5, $0x0;
	s5 =	sld [smem:$0x3FAD]  }
0x2b: {  	s6 =	sld [smem:$0x3FAE]  }
0x2c: {  	s7 =	sld [smem:$0x3FAF]  }
0x2d: {  	s3 =	simm.s32 $0x108;
	s8 =	sld [smem:$0x3FB0]  }
0x2e: {  	s3 =	simm.s32 @!p0 $0x1082;
	s9 =	sld [smem:$0x3FB1]  }
0x2f: {  	lr =	sadd.s32 s0, s3;
	s0 =	sld [smem:$0x3FA8]  }
0x30: {  	s3 =	sld [smem:$0x3FAB]  }
0x31: {  	[smem:$0x3FB4] =	sst s10  }
0x32: {  	s10 =	sld [smem:$0x3FB2];
	_ =	sdelay $0x3  }
0x33: {  	p0 =	seq.s32 s10, $0x1;
	s10 =	sld [smem:$0x3FB4];
	_ =	sdelay $0x3  }
0x34: {  	[smem:$0x3FB4] =	sst s10  }
0x35: {  	s10 =	sld [smem:$0x3FB3];
	_ =	sdelay $0x3  }
0x36: {  	p1 =	seq.s32 s10, $0x1;
	s10 =	sld [smem:$0x3FB4];
	_ =	sdelay $0x3  }
0x37: {  	[smem:$0x3FB4] =	sst s10  }
0x38: {  	s10 =	sld [smem:$0x3FB5]  }
0x39: {  	_ = 	snop;
	(pc) =	sbr.ind lr, $3  }
0x3a: {  	_ = 	snop  }
0x3b: {  	_ = 	snop  }
0x3c: {  	p2 =	seq.s32 s10, $0x1;
	s10 =	sld [smem:$0x3FB4]  }
0x3d: {  	_ =	shalt  }
0x3e: {  	_ =	shalt  }
0x3f: {  	_ =	shalt  }
0x40: {  	_ =	shalt  }
0x41: {  	_ =	shalt  }
0x42: {  	_ =	shalt  }
0x43: {  	_ =	shalt  }
0x44: {  	_ =	shalt  }
0x45: {  	_ =	shalt  }
0x46: {  	_ =	shalt  }
0x47: {  	_ =	shalt  }
0x48: {  	_ =	shalt  }
0x49: {  	_ =	shalt  }
0x4a: {  	_ =	shalt  }
0x4b: {  	_ =	shalt  }
0x4c: {  	_ =	shalt  }
0x4d: {  	_ =	shalt  }
0x4e: {  	_ =	shalt  }
0x4f: {  	_ =	shalt  }
0x50: {  	_ =	shalt  }
0x51: {  	_ =	shalt  }
0x52: {  	_ =	shalt  }
0x53: {  	_ =	shalt  }
0x54: {  	_ =	shalt  }
0x55: {  	_ =	shalt  }
0x56: {  	_ =	shalt  }
0x57: {  	_ =	shalt  }
0x58: {  	_ =	shalt  }
0x59: {  	_ =	shalt  }
0x5a: {  	_ =	shalt  }
0x5b: {  	_ =	shalt  }
0x5c: {  	_ =	shalt  }
0x5d: {  	_ =	shalt  }
0x5e: {  	_ =	shalt  }
0x5f: {  	_ =	shalt  }
0x60: {  	_ =	shalt  }
0x61: {  	_ =	shalt  }
0x62: {  	_ =	shalt  }
0x63: {  	_ =	shalt  }
0x64: {  	_ =	shalt  }
0x65: {  	_ =	shalt  }
0x66: {  	_ =	shalt  }
0x67: {  	_ =	shalt  }
0x68: {  	_ =	shalt  }
0x69: {  	_ =	shalt  }
0x6a: {  	_ =	shalt  }
0x6b: {  	_ =	shalt  }
0x6c: {  	_ =	shalt  }
0x6d: {  	_ =	shalt  }
0x6e: {  	_ =	shalt  }
0x6f: {  	_ =	shalt  }
0x70: {  	_ =	shalt  }
0x71: {  	_ =	shalt  }
0x72: {  	_ =	shalt  }
0x73: {  	_ =	shalt  }
0x74: {  	_ =	shalt  }
0x75: {  	_ =	shalt  }
0x76: {  	_ =	shalt  }
0x77: {  	_ =	shalt  }
0x78: {  	_ =	shalt  }
0x79: {  	_ =	shalt  }
0x7a: {  	_ =	shalt  }
0x7b: {  	_ =	shalt  }
0x7c: {  	_ =	shalt  }
0x7d: {  	_ =	shalt  }
0x7e: {  	_ =	shalt  }
0x7f: {  	_ =	shalt  }
0x80: {  	_ =	shalt  }
0x81: {  	_ =	shalt  }
0x82: {  	_ =	shalt  }
0x83: {  	_ =	shalt  }
0x84: {  	_ =	shalt  }
0x85: {  	_ =	shalt  }
0x86: {  	_ =	shalt  }
0x87: {  	_ =	shalt  }
.Lfunc_end0:
.L_simem_size_0:
called_computation.3_lowered:
.L_overlay_start_0:
0x88: {  	s2 =	sld [smem:$0x3FD9]  }
0x89: {  	s3 =	sld [smem:$0x3FFE];
	_ =	sdelay $0x1  }
0x8a: {  	s1 =	srdreg.scid  }
0x8b: {  	s0 =	sand.u32 $0x1, s1  }
0x8c: {  	s16 =	sshll.u32 s0, $0xA;
	s2 =	sadd.s32 s3, s2  }
0x8d: {  	s2 =	sadd.s32 s2, s16  }
0x8e: {  	[smem:$0x3FC0] =	sst s2  }
0x8f: {  	_ = 	snop  }
0x90: {  	(tm) =	ssettm $0x1  }
0x91: {  	s17 =	sld [smem:$0x3FFB];
	_ =	sdelay $0x3  }
0x92: {  	_ =	strace s17  }
0x93: {  	s2 =	sld [smem:$0x3FFC];
	_ =	sdelay $0x3  }
0x94: {  	_ =	strace s2  }
0x95: {  	s2 =	sld [smem:$0x3FFD];
	_ =	sdelay $0x3  }
0x96: {  	_ =	strace s2  }
0x97: {  	_ =	strace $0x8FFFFFFF  }
0x98: {  	s18 =	sld [smem:$0x3FDB];
	_ =	sdelay $0x1  }
0x99: {  	s19 =	simm.s32 $_scs_section_size  }
0x9a: {  	s4 =	simm.s32 $_size__tile_overlayer_lowered;
	s5 =	simm.s32 $_tile_overlayer_lowered  }
0x9b: {  	s22 =	simm.s32 $0x1BFF;
	s21 =	sshll.u32 s5, $0x1;
	s2 =	sadd.s32 s19, s18  }
0x9c: {  	s6 =	simm.s32 $0x0;
	s20 =	sshll.u32 s4, $0x1;
	s4 =	sadd.s32 s21, s2  }
0x9d: {  	[timem:s6], [sflag:s22] =	dma.local [hbm:s4], s20  }
0x9e: {  	_ =	swait.ge [sflag:s22], s20  }
0x9f: {  	s3 =	ssub.s32 $0x0, s20;
	[sflag:s22] =	ssyncset.done $0x0  }
0xa0: {  	[sflag:s22] =	ssyncadd.s32 s3;
	_ =	sdelay $0x1  }
0xa1: {  	s23 =	simm.s32 $0x1B8B  }
0xa2: {  	_ =	swait.ge [sflag:s23], $0x1  }
0xa3: {  	[sflag:s23] =	ssyncset.done $0x0  }
0xa4: {  	s25 =	simm.s32 $0x1B8E;
	s24 =	sld [smem:$0x3FFE];
	[sflag:s23] =	ssyncadd.s32 $0xFFFFFFFF  }
0xa5: {  	s26 =	simm.s32 $execute0_lowered;
	[smem:$0x3FD2] =	sst s25  }
0xa6: {  	s4 =	sshll.u32 s26, $0x1;
	_ =	strace $0x8000004F;
	[dreg:$0x1] =	wrdreg $0xFFFFFFFF  }
0xa7: {  	s28 =	simm.s32 $_size_execute0_lowered;
	s2 =	sadd.s32 s2, s4;
	[dreg:$0x0] =	wrdreg $0x0  }
0xa8: {  	s4 =	sshll.u32 s28, $0x1;
	[dreg:$0x2] =	wrdreg s2  }
0xa9: {  	[dreg:$0x3] =	wrdreg s4  }
0xaa: {  	[dreg:$0x4] =	wrdreg $0xC0  }
0xab: {  	_ =	task [dreg:s6], $0x5FFFF  }
0xac: {  	[dreg:$0x1] =	wrdreg $0xFFFFFFFF  }
0xad: {  	[dreg:$0x0] =	wrdreg $0x60  }
0xae: {  	[dreg:$0x2] =	wrdreg s24  }
0xaf: {  	[dreg:$0x3] =	wrdreg $0xB7800  }
0xb0: {  	[dreg:$0x4] =	wrdreg $0x9  }
0xb1: {  	_ =	task.clear_ibuf [dreg:s6], $0x5FFFF;
	_ =	strace $0x9000004F  }
0xb2: {  	s29 =	simm.s32 $0x9;
	_ =	strace $0x80000051  }
0xb3: {  	_ =	swait.ge [sflag:s29], $0x1  }
0xb4: {  	[sflag:s29] =	ssyncadd.s32 $0xFFFFFFFF  }
0xb5: {  	_ =	strace $0x90000051  }
0xb6: {  	_ =	sfence  }
0xb7: {  	s30 =	sld [smem:$0x0];
	_ =	sdelay $0x2  }
0xb8: {  	s31 =	sshll.u32 s1, $0xD;
	s1 =	sshrl.u32 s1, $0x2  }
0xb9: {  	s3 =	sand.u32 $0x4000, s31;
	s1 =	sadd.s32 s1, s30  }
0xba: {  	s0 =	sor.u32 s3, s0;
	s1 =	sshll.u32 s1, $0x11  }
0xbb: {  	s0 =	sor.u32 s1, s0  }
0xbc: {  	s0 =	sadd.s32 $0x8F2B, s0  }
0xbd: {  	[sflag:s0] =	ssyncadd.remote.s32 $0x1  }
0xbe: {  	_ =	sfence.sel $0xFFFF  }
0xbf: {  	[dreg:$0x0] =	wrdreg $0xFFFFFFFF;
	(pc) =	sbr.abs _section_cstart, $3  }
0xc0: {  	[dreg:$0x1] =	wrdreg $0xFFFFFFFF  }
0xc1: {  	_ =	task.clear_ibuf [dreg:s6], $0x2FFFF;
	_ =	strace $0x9FFFFFFF  }
0xc2: {  	(tm) =	ssettm $0x7FFFFFFF  }
0xc3: {  	_ =	shalt  }
tec
execute0_lowered:
.L_overlay_start_1:
0x0: {  	(tag) =	ssettag $0x1  }
0x1: {  	s0 =	srdreg.scid;
	s6 =	rddreg [dreg:$0x0]  }
0x2: {  	s2 =	rddreg [dreg:$0x1];
	s3 =	simm.s32 $0x0;
	s14 =	simm.s32 $0x50  }
0x3: {  	s15 =	simm.s32 $0x6780;
	s16 =	simm.s32 $0x8F80;
	s17 =	simm.s32 $0x1  }
0x4: {  	s18 =	simm.s32 $0x6580;
	s5 =	sand.u32 $0x1, s0;
	s0 =	stileid.u32  }
0x5: {  	s20 =	simm.s32 $0x3;
	s21 =	simm.s32 $0x0;
	s9 =	smul.u32 $0x14000, s0  }
0x6: {  	[smem:$0x7FF] =	sst s3;
	s4 =	sadd.s32 $0x1DA00, s6;
	s10 =	smul.u32 $0x140000, s5  }
0x7: {  	s1 =	sshll.u32 s5, $0x4;
	s5 =	ssub.s32 $0x2, s5;
	s29 =	smul.u32 $0x50000, s0  }
0x8: {  	s19 =	sshll.u32 s0, $0x6;
	s7 =	sor.u32 s0, s1;
	s1 =	rddreg [dreg:$0x2]  }
0x9: {  	_ =	strace $0x80000050;
	s30 =	sshrl.u32 s5, $0x1;
	s8 =	smul.u32 $0x4E2, s7  }
0xa: {  	s7 =	sshll.u32 s7, $0xB;
	s11 =	sshrl.u32 s9, $0x3;
	s9 =	sadd.s32 s9, s10  }
0xb: {  	s12 =	ssub.s32 s5, s30;
	s31 =	sshrl.u32 s29, $0x2;
	s7 =	sadd.s32 s7, s6  }
0xc: {  	s9 =	sshrl.u32 s9, $0x3;
	s11 =	sadd.s32 s11, s6;
	s13 =	sadd.s32 s31, s2  }
0xd: {  	s10 =	smax.u32 s12, $0x1;
	s8 =	sadd.s32 s8, s6;
	s9 =	sadd.s32 s9, s6  }
0xe: {  	s6 =	sadd.s32 $0xDA00, s7;
	s7 =	sadd.s32 $0x44C00, s11;
	s11 =	simm.s32 $0x2780  }
0xf: {  	s12 =	sshrl.u32 s13, $0x3;
	s13 =	simm.s32 $0x2;
	s5 =	sadd.s32 $0x2800, s8  }
0x10: {  	s8 =	sor.u32 $0x1C02, s19;
	s9 =	sadd.s32 $0x6CC00, s9;
	s19 =	sor.u32 $0x1C03, s19  }
.LBB2_1:
0x11: {  	[tilespmem:s3], [sflag:$0x1] =	stream.linear.gather [hbm4b:s5+s3], $0x2710, $0x38;
	[tilespmem:$0x1F780] =	vst v63  }
0x12: {  	_ = 	snop  }
0x13: {  	[tilespmem:s11], [sflag:$0x1] =	stream.linear.gather [hbm4b:s6+s3], $0x3E80, $0x38;
	[tilespmem:$0x1F780] =	vst v63  }
0x14: {  	[spmem:s12], [sflag:s8] =	dma.local [hbm:s7], $0x2800  }
0x15: {  	_ =	swait.ge [sflag:s17], $0x2710  }
0x16: {  	[sflag:s17] =	ssyncset.done $0x0  }
0x17: {  	[sflag:s17] =	ssyncadd.s32 $0xFFFFD8F0  }
0x18: {  	_ =	swait.ge [sflag:s17], $0x3E80  }
0x19: {  	[sflag:s17] =	ssyncset.done $0x0  }
0x1a: {  	[sflag:s17] =	ssyncadd.s32 $0xFFFFC180  }
0x1b: {  	_ =	swait.ge [sflag:s13], $0x2800  }
0x1c: {  	[sflag:s13] =	ssyncset.done $0x0  }
0x1d: {  	[sflag:s13] =	ssyncadd.s32 $0xFFFFD800  }
0x1e: {  	[bflag:$0x0] =	sbarrier.arrive $0xFFFF  }
0x1f: {  	[tilespmem:s15], [sflag:$0x1] =	stream.indirect.gather [hbm4b:s4+s14], $0x80, s3, s14, $0xb8;
	[tilespmem:$0x1F780] =	vst v63  }
0x20: {  	_ =	swait.ge [sflag:s17], $0x2800  }
0x21: {  	s22 =	simm.s32 $0xA0;
	[sflag:s17] =	ssyncset.done $0x0  }
0x22: {  	s24 =	simm.s32 $0x2800;
	s23 =	sand.u32 $0x1, s17;
	[sflag:s17] =	ssyncadd.s32 $0xFFFFD800  }
0x23: {  	[spmem:s2] =	stream.indirect.scatter.add.f32 [tilespmem:s15], [sflag:$0x2], $0x80, s11, s14, $0xb8;
	[tilespmem:$0x1F780] =	vst v63  }
0x24: {  	s25 =	simm.s32 $0x2;
	s26 =	sxor.u32 $0x1, s23;
	s28 =	smul.u32 $0xA000, s23  }
0x25: {  	[tilespmem:s16], [sflag:$0x1] =	stream.indirect.gather [hbm4b:s4+s14], $0x80, s14, s14, $0xb8;
	[tilespmem:$0x1F780] =	vst v63  }
0x26: {  	s23 =	sand.u32 $0x1, s25;
	s26 =	smul.u32 $0xA000, s26;
	_ =	swait.ge [sflag:s17], $0x2800  }
0x27: {  	s25 =	sxor.u32 $0x1, s23;
	s28 =	sshrl.u32 s28, $0x2;
	[sflag:s17] =	ssyncset.done $0x0  }
0x28: {  	s25 =	smul.u32 $0xA000, s25;
	s28 =	sadd.s32 $0x6780, s28;
	[sflag:s17] =	ssyncadd.s32 $0xFFFFD800  }
0x29: {  	[spmem:s2] =	stream.indirect.scatter.add.f32 [tilespmem:s28], [sflag:$0x2], $0x80, s24, s14, $0xb8;
	[tilespmem:$0x1F780] =	vst v63  }
0x2a: {  	s31 =	sshrl.u32 s26, $0x2;
	s26 =	sshrl.u32 s25, $0x2;
	_ =	swait.ge [sflag:s13], $0x2800  }
0x2b: {  	s25 =	simm.s32 $0x2880;
	s29 =	sadd.s32 $0x6780, s31;
	[sflag:s13] =	ssyncset.done $0x0  }
0x2c: {  	s28 =	simm.s32 $0x3;
	s24 =	simm.s32 $0xF0;
	[sflag:s13] =	ssyncadd.s32 $0xFFFFD800  }
.LBB2_2:
0x2d: {  	[tilespmem:s29], [sflag:$0x1] =	stream.indirect.gather [hbm4b:s4+s14], $0x80, s22, s14, $0xb8;
	[tilespmem:$0x1F780] =	vst v63  }
0x2e: {  	s29 =	smov.u32 s28;
	s30 =	smov.u32 s26;
	s22 =	smov.u32 s24  }
0x2f: {  	s31 =	sadd.s32 $0x1, s28;
	s26 =	smul.u32 $0xA000, s23;
	s23 =	sand.u32 $0x1, s29  }
0x30: {  	p0 =	sne.s32 s28, $0x7B;
	s29 =	sxor.u32 $0x1, s23;
	_ =	swait.ge [sflag:s17], $0x2800  }
0x31: {  	s26 =	sshrl.u32 s26, $0x2;
	s28 =	smul.u32 $0xA000, s29;
	[sflag:s17] =	ssyncset.done $0x0  }
.Ltmp0:
0x32: {  	s26 =	sadd.s32 $0x6780, s26;
	[sflag:s17] =	ssyncadd.s32 $0xFFFFD800;
	(pc) =	sbr.rel @p0 .LBB2_2-.Ltmp0, $4  }
0x33: {  	[spmem:s2] =	stream.indirect.scatter.add.f32 [tilespmem:s26], [sflag:$0x2], $0x80, s25, s14, $0xb8;
	[tilespmem:$0x1F780] =	vst v63  }
0x34: {  	s26 =	sshrl.u32 s28, $0x2;
	_ =	swait.ge [sflag:s13], $0x2800  }
0x35: {  	s24 =	sadd.s32 $0x50, s24;
	s25 =	sadd.s32 $0x80, s25;
	[sflag:s13] =	ssyncset.done $0x0  }
0x36: {  	s29 =	sadd.s32 $0x6780, s30;
	s28 =	smov.u32 s31;
	[sflag:s13] =	ssyncadd.s32 $0xFFFFD800  }
0x37: {  	[tilespmem:s29], [sflag:$0x1] =	stream.indirect.gather [hbm4b:s4+s14], $0x80, s22, s14, $0xb8;
	[tilespmem:$0x1F780] =	vst v63  }
0x38: {  	s30 =	smul.u32 $0xA000, s23  }
0x39: {  	_ =	swait.ge [sflag:s17], $0x2800  }
0x3a: {  	s22 =	sshrl.u32 s30, $0x2;
	[sflag:s17] =	ssyncset.done $0x0  }
0x3b: {  	s22 =	sadd.s32 $0x6780, s22;
	[sflag:s17] =	ssyncadd.s32 $0xFFFFD800  }
0x3c: {  	[spmem:s2] =	stream.indirect.scatter.add.f32 [tilespmem:s22], [sflag:$0x2], $0x80, s25, s14, $0xb8;
	[tilespmem:$0x1F780] =	vst v63  }
0x3d: {  	_ =	swait.ge [sflag:s13], $0x2800  }
0x3e: {  	[sflag:s13] =	ssyncset.done $0x0  }
0x3f: {  	s31 =	sadd.s32 $0x6780, s26;
	[sflag:s13] =	ssyncadd.s32 $0xFFFFD800  }
0x40: {  	[tilespmem:s31], [sflag:$0x1] =	stream.indirect.gather [hbm4b:s4+s14], $0x80, s24, s14, $0xb8;
	[tilespmem:$0x1F780] =	vst v63  }
0x41: {  	_ =	swait.ge [sflag:s17], $0x2800  }
0x42: {  	[sflag:s17] =	ssyncset.done $0x0  }
0x43: {  	[sflag:s17] =	ssyncadd.s32 $0xFFFFD800  }
0x44: {  	[spmem:s2] =	stream.indirect.scatter.add.f32 [tilespmem:s15], [sflag:$0x2], $0x80, s18, s14, $0xb8;
	[tilespmem:$0x1F780] =	vst v63  }
0x45: {  	_ =	swait.ge [sflag:s13], $0x2800  }
0x46: {  	[sflag:s13] =	ssyncset.done $0x0  }
0x47: {  	[sflag:s13] =	ssyncadd.s32 $0xFFFFD800  }
0x48: {  	_ =	swait.ge [sflag:s13], $0x2800  }
0x49: {  	s21 =	sadd.s32 $0x1, s21;
	[sflag:s13] =	ssyncset.done $0x0  }
0x4a: {  	p0 =	sne.s32 s21, s10;
	[sflag:s13] =	ssyncadd.s32 $0xFFFFD800  }
.Ltmp1:
0x4b: {  	[bflag:$0x0] =	sbarrier.arrive $0xFFFF;
	(pc) =	sbr.rel @p0 .LBB2_1-.Ltmp1, $4  }
0x4c: {  	[hbm:s9], [sflag:s19] =	dma.local [spmem:s12], $0x2800  }
0x4d: {  	_ =	swait.ge [sflag:s20], $0x2800  }
0x4e: {  	[sflag:s20] =	ssyncset.done $0x0  }
0x4f: {  	[sflag:s20] =	ssyncadd.s32 $0xFFFFD800  }
0x50: {  	_ =	sfence.sel $0x180000  }
0x51: {  	[bflag:$0x0] =	sbarrier.arrive $0xFFFF  }
0x52: {  	p0 =	sne.s32 s0, $0x0;
	_ =	strace $0x90000050  }
0x53: {  	s0 =	sadd.s32 @!p0 $0x100000, s1;
	[bflag:$0x2] =	sbarrier.arrive $0xFFFF  }
0x54: {  	[sflag:s0] =	ssyncadd.tile.s32 @!p0 $0x1;
	_ =	shalt  }
.Lfunc_end2:
_tile_overlayer_lowered:
.L_overlay_start_2:
0x55: {  	(tag) =	ssettag $0x2  }
0x56: {  	s0 =	rddreg [dreg:$0x0];
	s2 =	stileid.u32  }
0x57: {  	s1 =	rddreg [dreg:$0x1];
	p0 =	sne.s32 s2, $0x0  }
0x58: {  	s3 =	rddreg [dreg:$0x2];
	[bflag:$0x3] =	sbarrier.arrive $0xFFFF;
	s2 =	simm.s32 @!p0 $0x1C03  }
0x59: {  	[timem:s3], [sflag:s2] =	dma.local @!p0 [hbm:s0], s1  }
0x5a: {  	s0 =	simm.s32 @!p0 $0x3  }
0x5b: {  	_ =	swait.ge @!p0 [sflag:s0], s1  }
0x5c: {  	s1 =	ssub.s32 @!p0 $0x0, s1;
	[sflag:s0] =	ssyncset.done @!p0 $0x0  }
0x5d: {  	[sflag:s0] =	ssyncadd.s32 @!p0 s1  }
0x5e: {  	[bflag:$0x3] =	sbarrier.arrive $0xFFFF  }
0x5f: {  	_ =	shalt  }

</sc_bundles>
